<compile_context>
chip_gen: v7x
topology: tpu7x:2x2x1
jax: 0.10.2.dev20260603
libtpu: 0.0.44.dev20260713+nightly
codegen_flags: <defaults>
</compile_context>

<pallas_src>
import jax
import jax.numpy as jnp
from jax import lax
from jax.experimental import pallas as pl
from jax.experimental.pallas import tpu as pltpu
from jax.experimental.pallas import tpu_sc as plsc

_N = 16000
_E = 512000
_NSUB = 16
_CHUNK = 800
_EPW = _E // _NSUB
_ROWS_PW = _N // _NSUB


_NCH = _EPW // _CHUNK
_NPAIR = _NCH // 2


def _scale_chunk(gbuf, valv):
    def _blk(j, cc):
        vvec = valv[pl.ds(j * 16, 16)]
        for t in range(16):
            e = j * 16 + t
            v = vvec[t]
            gbuf[e, pl.ds(0, 16)] = gbuf[e, pl.ds(0, 16)] * v
            gbuf[e, pl.ds(16, 16)] = gbuf[e, pl.ds(16, 16)] * v
        return cc
    lax.fori_loop(0, _CHUNK // 16, _blk, 0)


def _spmm_body(x_ref, init_ref, cols_ref, rows_ref, vals_ref, out_ref,
               accum, colvA, rowvA, valvA, gbufA,
               colvB, rowvB, valvB, gbufB, semA, semB):
    c = lax.axis_index("c")
    s = lax.axis_index("s")
    pltpu.sync_copy(init_ref.at[c].at[pl.ds(s * _ROWS_PW, _ROWS_PW)],
                    accum.at[pl.ds(s * _ROWS_PW, _ROWS_PW)])
    plsc.subcore_barrier()

    def stage(base, colv, rowv, valv):
        pltpu.sync_copy(cols_ref.at[pl.ds(base, _CHUNK)], colv)
        pltpu.sync_copy(rows_ref.at[pl.ds(base, _CHUNK)], rowv)
        pltpu.sync_copy(vals_ref.at[pl.ds(base, _CHUNK)], valv)

    stage(s * _EPW, colvA, rowvA, valvA)
    pltpu.async_copy(x_ref.at[c].at[colvA], gbufA, semA)

    def pair(j, carry):
        baseB = s * _EPW + (2 * j + 1) * _CHUNK
        stage(baseB, colvB, rowvB, valvB)
        dB = pltpu.async_copy(x_ref.at[c].at[colvB], gbufB, semB)

        pltpu.make_async_copy(x_ref.at[c].at[colvA], gbufA, semA).wait()
        _scale_chunk(gbufA, valvA)
        pltpu.sync_copy(gbufA, accum.at[rowvA], add=True)

        @pl.when(j + 1 < _NPAIR)
        def _prefetch_a():
            baseA = s * _EPW + (2 * j + 2) * _CHUNK
            stage(baseA, colvA, rowvA, valvA)
            pltpu.async_copy(x_ref.at[c].at[colvA], gbufA, semA)

        dB.wait()
        _scale_chunk(gbufB, valvB)
        pltpu.sync_copy(gbufB, accum.at[rowvB], add=True)
        return carry

    lax.fori_loop(0, _NPAIR, pair, 0)
    plsc.subcore_barrier()
    pltpu.sync_copy(accum.at[pl.ds(s * _ROWS_PW, _ROWS_PW)],
                    out_ref.at[c].at[pl.ds(s * _ROWS_PW, _ROWS_PW)])


@jax.jit
def _spmm_sc(x_split, init_split, cols, rows, vals):
    mesh = plsc.VectorSubcoreMesh(core_axis_name="c", subcore_axis_name="s",
                                  num_cores=2, num_subcores=_NSUB)
    return pl.kernel(
        _spmm_body,
        out_type=jax.ShapeDtypeStruct((2, _N, 32), jnp.float32),
        mesh=mesh,
        compiler_params=pltpu.CompilerParams(use_tc_tiling_on_sc=False, needs_layout_passes=False),
        scratch_types=[
            pltpu.VMEM_SHARED((_N, 32), jnp.float32),
            pltpu.VMEM((_CHUNK,), jnp.int32),
            pltpu.VMEM((_CHUNK,), jnp.int32),
            pltpu.VMEM((_CHUNK,), jnp.float32),
            pltpu.VMEM((_CHUNK, 32), jnp.float32),
            pltpu.VMEM((_CHUNK,), jnp.int32),
            pltpu.VMEM((_CHUNK,), jnp.int32),
            pltpu.VMEM((_CHUNK,), jnp.float32),
            pltpu.VMEM((_CHUNK, 32), jnp.float32),
            pltpu.SemaphoreType.DMA,
            pltpu.SemaphoreType.DMA,
        ],
    )(x_split, init_split, cols, rows, vals)


def _to_split(x):
    return x.reshape(_N, 2, 32).transpose(1, 0, 2)


def _from_split(xs):
    return xs.transpose(1, 0, 2).reshape(_N, 64)


_CAP = 32768
_FCH = 1600
_MCH = 256


def _fill_i32(ref, n, value):
    def w(j, cc):
        ref[pl.ds(j * 16, 16)] = jnp.full((16,), value, jnp.int32)
        return cc
    lax.fori_loop(0, n // 16, w, 0)


def _filter_body(rows_ref, cols_ref, vals_ref, uidx_ref, ar256_ref,
                 inv_ref, segA_ref, segB_ref, segV_ref, cnt_ref,
                 invb, uv, arv, keyb, othb, valb,
                 cbufA, cbufB, cbufV, cntb, sem):
    c = lax.axis_index("c")
    s = lax.axis_index("s")
    npw = _N // _NSUB
    _fill_i32(invb, _N, -1)
    pltpu.sync_copy(uidx_ref, uv)
    pltpu.sync_copy(ar256_ref, arv)
    for j in range(16):
        u16 = uv[pl.ds(j * 16, 16)]
        a16 = arv[pl.ds(j * 16, 16)]
        plsc.store_scatter(invb, [u16], a16)

    @pl.when(c == 0)
    def _inv_out():
        pltpu.sync_copy(invb.at[pl.ds(s * npw, npw)],
                        inv_ref.at[pl.ds(s * npw, npw)])

    epw = _E // _NSUB

    def chunk(i, cnt):
        base = s * epw + i * _FCH

        @pl.when(c == 0)
        def _stage_r():
            pltpu.sync_copy(rows_ref.at[pl.ds(base, _FCH)], keyb)
            pltpu.sync_copy(cols_ref.at[pl.ds(base, _FCH)], othb)

        @pl.when(c == 1)
        def _stage_c():
            pltpu.sync_copy(cols_ref.at[pl.ds(base, _FCH)], keyb)
            pltpu.sync_copy(rows_ref.at[pl.ds(base, _FCH)], othb)

        pltpu.sync_copy(vals_ref.at[pl.ds(base, _FCH)], valb)

        def blk(j, cnt):
            key = keyb[pl.ds(j * 16, 16)]
            sl = plsc.load_gather(invb, [key])
            ot = othb[pl.ds(j * 16, 16)]
            vv = valb[pl.ds(j * 16, 16)]
            m = sl >= 0
            mi = jnp.where(m, jnp.full((16,), 1, jnp.int32), jnp.full((16,), 0, jnp.int32))
            csum = plsc.cumsum(mi)
            pos = jnp.where(m, cnt + csum - mi, _CAP)
            plsc.store_scatter(cbufA, [pos], sl)
            plsc.store_scatter(cbufB, [pos], ot)
            plsc.store_scatter(cbufV, [pos], vv)
            return cnt + csum[15]

        return lax.fori_loop(0, _FCH // 16, blk, cnt)

    cnt = lax.fori_loop(0, epw // _FCH, chunk, jnp.int32(0))
    pltpu.sync_copy(cbufA.at[pl.ds(0, _CAP)], segA_ref.at[c].at[s])
    pltpu.sync_copy(cbufB.at[pl.ds(0, _CAP)], segB_ref.at[c].at[s])
    pltpu.sync_copy(cbufV.at[pl.ds(0, _CAP)], segV_ref.at[c].at[s])
    cntb[pl.ds(0, 16)] = jnp.full((16,), cnt, jnp.int32)
    pltpu.sync_copy(cntb, cnt_ref.at[c].at[s])


@jax.jit
def _filter_sc(rows, cols, vals, uidx, ar256):
    mesh = plsc.VectorSubcoreMesh(core_axis_name="c", subcore_axis_name="s",
                                  num_cores=2, num_subcores=_NSUB)
    return pl.kernel(
        _filter_body,
        out_type=(jax.ShapeDtypeStruct((_N,), jnp.int32),
                  jax.ShapeDtypeStruct((2, _NSUB, _CAP), jnp.int32),
                  jax.ShapeDtypeStruct((2, _NSUB, _CAP), jnp.int32),
                  jax.ShapeDtypeStruct((2, _NSUB, _CAP), jnp.float32),
                  jax.ShapeDtypeStruct((2, _NSUB, 16), jnp.int32)),
        mesh=mesh,
        compiler_params=pltpu.CompilerParams(use_tc_tiling_on_sc=False, needs_layout_passes=False),
        scratch_types=[
            pltpu.VMEM((_N,), jnp.int32),
            pltpu.VMEM((256,), jnp.int32),
            pltpu.VMEM((256,), jnp.int32),
            pltpu.VMEM((_FCH,), jnp.int32),
            pltpu.VMEM((_FCH,), jnp.int32),
            pltpu.VMEM((_FCH,), jnp.float32),
            pltpu.VMEM((_CAP + 16,), jnp.int32),
            pltpu.VMEM((_CAP + 16,), jnp.int32),
            pltpu.VMEM((_CAP + 16,), jnp.float32),
            pltpu.VMEM((16,), jnp.int32),
            pltpu.SemaphoreType.DMA,
        ],
    )(rows, cols, vals, uidx, ar256)


def _newden_body(h_ref, d_ref, segA_ref, segB_ref, segV_ref, cnt_ref,
                 uidx_ref, ar256_ref, nd_ref, hu_ref,
                 accS0, accS1,
                 uv, arv, hu0, hu1, accL0, accL1,
                 slotb, colb, valb, gh0, gh1, gd0, gd1, cntb, sem):
    s = lax.axis_index("s")

    def zr(j, cc):
        accL0[j, pl.ds(0, 16)] = jnp.zeros((16,), jnp.float32)
        accL0[j, pl.ds(16, 16)] = jnp.zeros((16,), jnp.float32)
        accL1[j, pl.ds(0, 16)] = jnp.zeros((16,), jnp.float32)
        accL1[j, pl.ds(16, 16)] = jnp.zeros((16,), jnp.float32)
        return cc
    lax.fori_loop(0, 256, zr, 0)

    @pl.when(s == 0)
    def _zero_shared():
        pltpu.sync_copy(accL0, accS0)
        pltpu.sync_copy(accL1, accS1)

    pltpu.sync_copy(ar256_ref, arv)
    pltpu.sync_copy(uidx_ref, uv)
    pltpu.async_copy(h_ref.at[0].at[uv], hu0, sem).wait()
    pltpu.async_copy(h_ref.at[1].at[uv], hu1, sem).wait()

    pltpu.sync_copy(cnt_ref.at[0].at[s], cntb)
    n = cntb[pl.ds(0, 16)][0]
    plsc.subcore_barrier()

    def chunk(i, cc):
        base = i * _MCH
        pltpu.sync_copy(segA_ref.at[0].at[s].at[pl.ds(base, _MCH)], slotb)
        pltpu.sync_copy(segB_ref.at[0].at[s].at[pl.ds(base, _MCH)], colb)
        pltpu.sync_copy(segV_ref.at[0].at[s].at[pl.ds(base, _MCH)], valb)

        def san(j, cc2):
            e16 = base + j * 16 + lax.iota(jnp.int32, 16)
            live = e16 < n
            slotb[pl.ds(j * 16, 16)] = jnp.where(live, slotb[pl.ds(j * 16, 16)], 0)
            colb[pl.ds(j * 16, 16)] = jnp.where(live, colb[pl.ds(j * 16, 16)], 0)
            valb[pl.ds(j * 16, 16)] = jnp.where(live, valb[pl.ds(j * 16, 16)], 0.0)
            return cc2
        lax.fori_loop(0, _MCH // 16, san, 0)

        pltpu.async_copy(h_ref.at[0].at[colb], gh0, sem).wait()
        pltpu.async_copy(h_ref.at[1].at[colb], gh1, sem).wait()
        pltpu.async_copy(d_ref.at[0].at[colb], gd0, sem).wait()
        pltpu.async_copy(d_ref.at[1].at[colb], gd1, sem).wait()

        def blk(j, cc2):
            sl16 = slotb[pl.ds(j * 16, 16)]
            vv16 = valb[pl.ds(j * 16, 16)]
            for t in range(16):
                e = j * 16 + t
                p = sl16[t]
                v = vv16[t]
                part = (gh0[e, pl.ds(0, 16)] * hu0[p, pl.ds(0, 16)]
                        + gh0[e, pl.ds(16, 16)] * hu0[p, pl.ds(16, 16)]
                        + gh1[e, pl.ds(0, 16)] * hu1[p, pl.ds(0, 16)]
                        + gh1[e, pl.ds(16, 16)] * hu1[p, pl.ds(16, 16)])
                dot = jnp.sum(part)
                sigv = 1.0 / (1.0 + jnp.exp(jnp.full((16,), -dot, jnp.float32)))
                wv = sigv * v
                accL0[p, pl.ds(0, 16)] = accL0[p, pl.ds(0, 16)] + wv * gd0[e, pl.ds(0, 16)]
                accL0[p, pl.ds(16, 16)] = accL0[p, pl.ds(16, 16)] + wv * gd0[e, pl.ds(16, 16)]
                accL1[p, pl.ds(0, 16)] = accL1[p, pl.ds(0, 16)] + wv * gd1[e, pl.ds(0, 16)]
                accL1[p, pl.ds(16, 16)] = accL1[p, pl.ds(16, 16)] + wv * gd1[e, pl.ds(16, 16)]
            return cc2
        lax.fori_loop(0, _MCH // 16, blk, 0)
        return cc

    nch = lax.div(n + (_MCH - 1), _MCH)
    lax.fori_loop(0, nch, chunk, 0)
    pltpu.sync_copy(accL0, accS0.at[arv], add=True)
    pltpu.sync_copy(accL1, accS1.at[arv], add=True)
    plsc.subcore_barrier()

    @pl.when(s == 0)
    def _writeout():
        pltpu.sync_copy(accS0, nd_ref.at[0])
        pltpu.sync_copy(accS1, nd_ref.at[1])
        pltpu.sync_copy(hu0, hu_ref.at[0])
        pltpu.sync_copy(hu1, hu_ref.at[1])


@jax.jit
def _newden_sc(h_split, d_split, segA, segB, segV, counts, uidx, ar256):
    mesh = plsc.VectorSubcoreMesh(core_axis_name="c", subcore_axis_name="s",
                                  num_cores=2, num_subcores=_NSUB)
    return pl.kernel(
        _newden_body,
        out_type=(jax.ShapeDtypeStruct((2, 256, 32), jnp.float32),
                  jax.ShapeDtypeStruct((2, 256, 32), jnp.float32)),
        mesh=mesh,
        compiler_params=pltpu.CompilerParams(use_tc_tiling_on_sc=False, needs_layout_passes=False),
        scratch_types=[
            pltpu.VMEM_SHARED((256, 32), jnp.float32),
            pltpu.VMEM_SHARED((256, 32), jnp.float32),
            pltpu.VMEM((256,), jnp.int32),
            pltpu.VMEM((256,), jnp.int32),
            pltpu.VMEM((256, 32), jnp.float32),
            pltpu.VMEM((256, 32), jnp.float32),
            pltpu.VMEM((256, 32), jnp.float32),
            pltpu.VMEM((256, 32), jnp.float32),
            pltpu.VMEM((_MCH,), jnp.int32),
            pltpu.VMEM((_MCH,), jnp.int32),
            pltpu.VMEM((_MCH,), jnp.float32),
            pltpu.VMEM((_MCH, 32), jnp.float32),
            pltpu.VMEM((_MCH, 32), jnp.float32),
            pltpu.VMEM((_MCH, 32), jnp.float32),
            pltpu.VMEM((_MCH, 32), jnp.float32),
            pltpu.VMEM((16,), jnp.int32),
            pltpu.SemaphoreType.DMA,
        ],
    )(h_split, d_split, segA, segB, segV, counts, uidx, ar256)


def _dspmm_body(base2_ref, segA_ref, segB_ref, segV_ref, cnt_ref,
                nd0_ref, e0_ref, e1_ref, uidx_ref, out_ref,
                accum, uv, deltab, t0b, t1b, rowb, slotb, valb, contrib,
                cntb, sem):
    c = lax.axis_index("c")
    s = lax.axis_index("s")
    npw = _N // _NSUB
    pltpu.sync_copy(base2_ref.at[c].at[pl.ds(s * npw, npw)],
                    accum.at[pl.ds(s * npw, npw)])

    pltpu.sync_copy(uidx_ref, uv)
    pltpu.async_copy(e0_ref.at[c].at[uv], t0b, sem).wait()
    pltpu.async_copy(e1_ref.at[c].at[uv], t1b, sem).wait()
    pltpu.sync_copy(nd0_ref.at[c], deltab)

    def dl(j, cc):
        deltab[j, pl.ds(0, 16)] = deltab[j, pl.ds(0, 16)] - (t1b[j, pl.ds(0, 16)] - t0b[j, pl.ds(0, 16)])
        deltab[j, pl.ds(16, 16)] = deltab[j, pl.ds(16, 16)] - (t1b[j, pl.ds(16, 16)] - t0b[j, pl.ds(16, 16)])
        return cc
    lax.fori_loop(0, 256, dl, 0)

    pltpu.sync_copy(cnt_ref.at[1].at[s], cntb)
    n = cntb[pl.ds(0, 16)][0]
    plsc.subcore_barrier()

    def chunk(i, cc):
      base = i * _MCH

      @pl.when(base < n)
      def _live_chunk():
        pltpu.sync_copy(segA_ref.at[1].at[s].at[pl.ds(base, _MCH)], slotb)
        pltpu.sync_copy(segB_ref.at[1].at[s].at[pl.ds(base, _MCH)], rowb)
        pltpu.sync_copy(segV_ref.at[1].at[s].at[pl.ds(base, _MCH)], valb)

        def san(j, cc2):
            e16 = base + j * 16 + lax.iota(jnp.int32, 16)
            live = e16 < n
            slotb[pl.ds(j * 16, 16)] = jnp.where(live, slotb[pl.ds(j * 16, 16)], 0)
            rowb[pl.ds(j * 16, 16)] = jnp.where(live, rowb[pl.ds(j * 16, 16)], 0)
            valb[pl.ds(j * 16, 16)] = jnp.where(live, valb[pl.ds(j * 16, 16)], 0.0)
            return cc2
        lax.fori_loop(0, _MCH // 16, san, 0)

        def blk(j, cc2):
            sl16 = slotb[pl.ds(j * 16, 16)]
            vv16 = valb[pl.ds(j * 16, 16)]
            for t in range(16):
                e = j * 16 + t
                p = sl16[t]
                v = vv16[t]
                contrib[e, pl.ds(0, 16)] = v * deltab[p, pl.ds(0, 16)]
                contrib[e, pl.ds(16, 16)] = v * deltab[p, pl.ds(16, 16)]
            return cc2
        lax.fori_loop(0, _MCH // 16, blk, 0)
        pltpu.sync_copy(contrib, accum.at[rowb], add=True)
      return cc

    lax.fori_loop(0, _CAP // _MCH, chunk, 0)
    plsc.subcore_barrier()

    pltpu.sync_copy(accum.at[pl.ds(s * npw, npw)],
                    out_ref.at[c].at[pl.ds(s * npw, npw)])


@jax.jit
def _dspmm_sc(base2s, segA, segB, segV, counts, nd0, e0s, e1s, uidx):
    mesh = plsc.VectorSubcoreMesh(core_axis_name="c", subcore_axis_name="s",
                                  num_cores=2, num_subcores=_NSUB)
    return pl.kernel(
        _dspmm_body,
        out_type=jax.ShapeDtypeStruct((2, _N, 32), jnp.float32),
        mesh=mesh,
        compiler_params=pltpu.CompilerParams(use_tc_tiling_on_sc=False, needs_layout_passes=False),
        scratch_types=[
            pltpu.VMEM_SHARED((_N, 32), jnp.float32),
            pltpu.VMEM((256,), jnp.int32),
            pltpu.VMEM((256, 32), jnp.float32),
            pltpu.VMEM((256, 32), jnp.float32),
            pltpu.VMEM((256, 32), jnp.float32),
            pltpu.VMEM((_MCH,), jnp.int32),
            pltpu.VMEM((_MCH,), jnp.int32),
            pltpu.VMEM((_MCH,), jnp.float32),
            pltpu.VMEM((_MCH, 32), jnp.float32),
            pltpu.VMEM((16,), jnp.int32),
            pltpu.SemaphoreType.DMA,
        ],
    )(base2s, segA, segB, segV, counts, nd0, e0s, e1s, uidx)


def _final_mix_kernel(e0_ref, e1_ref, e2_ref, e3_ref, noise_ref, sh_ref,
                      wm_ref, ws_ref, wd_ref,
                      main_ref, mean_ref, std_ref, dec_ref,
                      h0_ref, h1_ref, h2_ref, b2_ref, t0_ref, s_ref):
    i = pl.program_id(0)
    e0 = e0_ref[...]
    e1 = e1_ref[...]
    e2 = e2_ref[...]
    e3 = e3_ref[...]
    m = (e0 + e1 + e2 + e3) * 0.25
    main_ref[...] = m
    mean = jnp.maximum(m @ wm_ref[...], 0.0)
    std = jnp.maximum(m @ ws_ref[...], 0.0)
    mean_ref[...] = mean
    std_ref[...] = std
    x = noise_ref[...] * std + mean
    dec = jnp.maximum(x @ wd_ref[...], 0.0)
    dec_ref[...] = dec
    sh = sh_ref[...]
    h0_ref[...] = jax.nn.sigmoid(sh * e0)
    h1_ref[...] = jax.nn.sigmoid(sh * e1)
    h2_ref[...] = jax.nn.sigmoid(sh * e2)
    b2_ref[...] = e2 - 2.0 * e1 + e0

    @pl.when(i == 0)
    def _init():
        t0_ref[...] = jnp.zeros((64, 64), jnp.float32)
        s_ref[...] = jnp.zeros((64, 64), jnp.float32)

    t0_ref[...] += dec.T @ e0
    s_ref[...] += dec.T @ dec


def _dense_pass(e0, e1, e2, e3, noise, shared, W_mean, W_std, W_decoder):
    n = e0.shape[0]
    blk = 3200
    grid = (n // blk,)
    bs = pl.BlockSpec((blk, 64), lambda i: (i, 0))
    ws = pl.BlockSpec((64, 64), lambda i: (0, 0))
    shs = pl.BlockSpec((1, 64), lambda i: (0, 0))
    acc = pl.BlockSpec((64, 64), lambda i: (0, 0))
    out_sd = jax.ShapeDtypeStruct((n, 64), jnp.float32)
    w_sd = jax.ShapeDtypeStruct((64, 64), jnp.float32)
    return pl.pallas_call(
        _final_mix_kernel,
        grid=grid,
        in_specs=[bs, bs, bs, bs, bs, shs, ws, ws, ws],
        out_specs=[bs, bs, bs, bs, bs, bs, bs, bs, acc, acc],
        out_shape=[out_sd] * 8 + [w_sd, w_sd],
    )(e0, e1, e2, e3, noise, shared, W_mean, W_std, W_decoder)


def _m_kernel(t0_ref, s_ref, m_ref):
    t0 = t0_ref[...]
    s = s_ref[...]
    st = s @ t0
    m_ref[...] = t0 + st + s @ st


def _gen_m_pass(t0, S):
    return pl.pallas_call(
        _m_kernel,
        out_shape=jax.ShapeDtypeStruct((64, 64), jnp.float32),
    )(t0, S)


def _ov_kernel(base_ref, nd_ref, inv_ref, out_ref):
    inv = inv_ref[...]
    flag = inv >= 0
    oh = (inv == lax.broadcasted_iota(jnp.int32, (1, 256), 1)).astype(jnp.float32)
    out_ref[...] = jnp.where(flag, oh @ nd_ref[...], base_ref[...])


def _ov_pass(base, nd, inv2d):
    n = base.shape[0]
    blk = 3200
    bs = pl.BlockSpec((blk, 64), lambda i: (i, 0))
    return pl.pallas_call(
        _ov_kernel,
        grid=(n // blk,),
        in_specs=[bs, pl.BlockSpec((256, 64), lambda i: (0, 0)),
                  pl.BlockSpec((blk, 1), lambda i: (i, 0))],
        out_specs=bs,
        out_shape=jax.ShapeDtypeStruct((n, 64), jnp.float32),
    )(base, nd, inv2d)


def _fin_kernel(e0_ref, d1_ref, d2_ref, d3r_ref, nd2_ref, inv_ref,
                dec_ref, m_ref, h0_ref, h1_ref, h2_ref,
                hu0_ref, hu1_ref, hu2_ref,
                den_ref, gen_ref, dg0_ref, dg1_ref, dg2_ref):
    inv = inv_ref[...]
    flag = inv >= 0
    oh = (inv == lax.broadcasted_iota(jnp.int32, (1, 256), 1)).astype(jnp.float32)
    d3 = jnp.where(flag, oh @ nd2_ref[...], d3r_ref[...])
    e0 = e0_ref[...]
    den_ref[...] = (e0 + d1_ref[...] + d2_ref[...] + d3) * 0.25
    gen_ref[...] = (e0 + dec_ref[...] @ m_ref[...]) * 0.25
    dg0_ref[...] = jax.nn.sigmoid(hu0_ref[...] @ h0_ref[...].T)
    dg1_ref[...] = jax.nn.sigmoid(hu1_ref[...] @ h1_ref[...].T)
    dg2_ref[...] = jax.nn.sigmoid(hu2_ref[...] @ h2_ref[...].T)


def _final_pass(e0, d1, d2, d3raw, nd2, inv2d, dec, M, h0, h1, h2,
                hu0, hu1, hu2):
    n = e0.shape[0]
    blk = 3200
    bs = pl.BlockSpec((blk, 64), lambda i: (i, 0))
    hus = pl.BlockSpec((256, 64), lambda i: (0, 0))
    ms = pl.BlockSpec((64, 64), lambda i: (0, 0))
    ivs = pl.BlockSpec((blk, 1), lambda i: (i, 0))
    dgs = pl.BlockSpec((256, blk), lambda i: (0, i))
    out_sd = jax.ShapeDtypeStruct((n, 64), jnp.float32)
    dg_sd = jax.ShapeDtypeStruct((256, n), jnp.float32)
    return pl.pallas_call(
        _fin_kernel,
        grid=(n // blk,),
        in_specs=[bs, bs, bs, bs, hus, ivs, bs, ms, bs, bs, bs,
                  hus, hus, hus],
        out_specs=[bs, bs, dgs, dgs, dgs],
        out_shape=[out_sd, out_sd, dg_sd, dg_sd, dg_sd],
    )(e0, d1, d2, d3raw, nd2, inv2d, dec, M, h0, h1, h2, hu0, hu1, hu2)


def kernel(user_emb, item_emb, W_mean, W_std, W_decoder, shared_layer,
           adj_rows, adj_cols, adj_vals, user_idx, noise):
    user_num = user_emb.shape[0]
    e0 = jnp.concatenate([user_emb, item_emb], axis=0)
    n_total = e0.shape[0]

    zeros_split = jnp.zeros((2, n_total, 32), jnp.float32)
    e0s = _to_split(e0)
    e1s = _spmm_sc(e0s, e0s, adj_cols, adj_rows, adj_vals)
    e2s = _spmm_sc(e1s, e1s, adj_cols, adj_rows, adj_vals)
    e3s = _spmm_sc(e2s, e2s, adj_cols, adj_rows, adj_vals)
    e1 = _from_split(e1s)
    e2 = _from_split(e2s)
    e3 = _from_split(e3s)

    (main_all, mean, std, D, h0, h1, h2, base2, t0, S) = _dense_pass(
        e0, e1, e2, e3, noise, shared_layer, W_mean, W_std, W_decoder)
    M = _gen_m_pass(t0, S)

    ar256 = jnp.arange(256, dtype=jnp.int32)
    inv, segA, segB, segV, counts = _filter_sc(adj_rows, adj_cols, adj_vals,
                                               user_idx, ar256)
    inv2d = inv[:, None]
    slot_of = inv[user_idx]

    def _dup(nds):
        full = jnp.concatenate([nds[0], nds[1]], axis=1)[slot_of]
        return full, jnp.stack([full[:, :32], full[:, 32:]], axis=0)

    hs = [_to_split(hk) for hk in (h0, h1, h2)]

    nd0r, hu0 = _newden_sc(hs[0], e0s, segA, segB, segV, counts, user_idx, ar256)
    nd0, nd0s = _dup(nd0r)
    d1 = _ov_pass(e1 - e0, nd0, inv2d)

    d1s = _to_split(d1)
    nd1r, hu1 = _newden_sc(hs[1], d1s, segA, segB, segV, counts, user_idx, ar256)
    nd1, _ = _dup(nd1r)
    d2raw = _from_split(_dspmm_sc(_to_split(base2), segA, segB, segV, counts,
                                  nd0s, e0s, e1s, user_idx))
    d2 = _ov_pass(d2raw, nd1, inv2d)
    d2s = _to_split(d2)
    nd2r, hu2 = _newden_sc(hs[2], d2s, segA, segB, segV, counts, user_idx, ar256)
    nd2, _ = _dup(nd2r)
    d3raw = _from_split(_spmm_sc(d2s, zeros_split, adj_cols, adj_rows, adj_vals))

    def _huf(hu):
        return jnp.concatenate([hu[0], hu[1]], axis=1)

    den_m, gen_m, dg0, dg1, dg2 = _final_pass(
        e0, d1, d2, d3raw, nd2, inv2d, D, M, h0, h1, h2,
        _huf(hu0), _huf(hu1), _huf(hu2))

    return (main_all[:user_num], main_all[user_num:],
            gen_m[:user_num], gen_m[user_num:],
            den_m[:user_num], den_m[user_num:],
            mean, std, (dg0, dg1, dg2))

# --- scband reference (transcript-rebuilt; emitter-appended) ---
"""Pipeline reference for scband-ada-gcl-encoder-62697932587018 (READ-ONLY COPY).

The authoritative reference and input builder live on the scoring server;
editing this copy changes nothing except your own understanding.
"""

import jax, jax.numpy as jnp
import numpy as np

USER_NUM = 6000
ITEM_NUM = 10000
N = USER_NUM + ITEM_NUM
D = 64
E = 512000
N_LAYERS = 3
CANDIDATE_USER = 256


def setup_inputs(seed: int = 0) -> dict:
    key = jax.random.key(seed)
    ks = jax.random.split(key, 12)
    user_emb = jax.random.normal(ks[0], (USER_NUM, D), dtype=jnp.float32) * 0.1
    item_emb = jax.random.normal(ks[1], (ITEM_NUM, D), dtype=jnp.float32) * 0.1
    W_mean = jax.random.normal(ks[2], (D, D), dtype=jnp.float32) * 0.05
    W_std = jax.random.normal(ks[3], (D, D), dtype=jnp.float32) * 0.05
    W_decoder = jax.random.normal(ks[4], (D, D), dtype=jnp.float32) * 0.05
    shared_layer = jax.random.normal(ks[5], (1, D), dtype=jnp.float32) * 0.1
    adj_rows = jax.random.randint(ks[6], (E,), 0, N, dtype=jnp.int64 if jax.config.jax_enable_x64 else jnp.int32)
    adj_cols = jax.random.randint(ks[7], (E,), 0, N, dtype=jnp.int64 if jax.config.jax_enable_x64 else jnp.int32)
    adj_vals = jax.random.uniform(ks[8], (E,), dtype=jnp.float32) * 0.03
    user_idx = jax.random.randint(ks[9], (CANDIDATE_USER,), 0, USER_NUM, dtype=jnp.int64 if jax.config.jax_enable_x64 else jnp.int32)
    noise = jax.random.normal(ks[10], (N, D), dtype=jnp.float32)
    return {
        'user_emb': user_emb, 'item_emb': item_emb,
        'W_mean': W_mean, 'W_std': W_std, 'W_decoder': W_decoder,
        'shared_layer': shared_layer,
        'adj_rows': adj_rows, 'adj_cols': adj_cols, 'adj_vals': adj_vals,
        'user_idx': user_idx, 'noise': noise,
    }


def reference(user_emb, item_emb, W_mean, W_std, W_decoder, shared_layer,
              adj_rows, adj_cols, adj_vals, user_idx, noise):
    user_num = user_emb.shape[0]
    ego = jnp.concatenate([user_emb, item_emb], axis=0)
    n_total = ego.shape[0]

    def spmm(x):
        gathered = x[adj_cols] * adj_vals[:, None]
        return jnp.zeros_like(x).at[adj_rows].add(gathered)

    # main GCN branch
    all_embeddings = [ego]
    for _ in range(N_LAYERS):
        all_embeddings.append(spmm(all_embeddings[-1]) + all_embeddings[-1])
    main_all = jnp.mean(jnp.stack(all_embeddings, axis=1), axis=1)
    user_all = main_all[:user_num]
    item_all = main_all[user_num:]

    # generative (VGAE-style) branch
    mean = jax.nn.relu(main_all @ W_mean)
    std = jax.nn.relu(main_all @ W_std)
    x = noise * std + mean
    decoded = jax.nn.relu(x @ W_decoder)
    gen_all = [ego]
    for _ in range(N_LAYERS):
        gen_all.append(decoded @ (decoded.T @ gen_all[-1]))
    gen_m = jnp.mean(jnp.stack(gen_all, axis=1), axis=1)
    gen_user = gen_m[:user_num]
    gen_item = gen_m[user_num:]

    # denoising branch (uses dense adjacency rows as in torch to_dense)
    dense_adj = jnp.zeros((n_total, n_total), dtype=jnp.float32).at[adj_rows, adj_cols].add(adj_vals)
    den_all = [ego]
    all_denoise_graph = []
    for k in range(N_LAYERS):
        hidden = jax.nn.sigmoid(shared_layer * all_embeddings[k])
        denoise_graph = jax.nn.sigmoid(hidden[user_idx] @ hidden.T)
        all_denoise_graph.append(denoise_graph)
        new_den = (denoise_graph * dense_adj[user_idx]) @ den_all[-1]
        den_ego = spmm(den_all[-1])
        den_ego = den_ego.at[user_idx].set(new_den)
        den_all.append(den_ego)
    den_m = jnp.mean(jnp.stack(den_all, axis=1), axis=1)
    den_user = den_m[:user_num]
    den_item = den_m[user_num:]

    return (user_all, item_all, gen_user, gen_item, den_user, den_item,
            mean, std, tuple(all_denoise_graph))

if __name__ == "__main__":
    import jax
    _d = setup_inputs()
    print(jax.jit(kernel)(*tuple(_d.values())))

</pallas_src>

<mosaic_0001>
#map = affine_map<(d0, d1) -> (0, 0, 0)>
#map1 = affine_map<(d0, d1) -> (0)>
module attributes {stable_mosaic.version = 14 : i64} {
  func.func @_spmm_body(%arg0: i32, %arg1: i32, %arg2: memref<2x16000x32xf32, #tpu.memory_space<hbm>>, %arg3: memref<2x16000x32xf32, #tpu.memory_space<hbm>>, %arg4: memref<512000xi32, #tpu.memory_space<hbm>>, %arg5: memref<512000xi32, #tpu.memory_space<hbm>>, %arg6: memref<512000xf32, #tpu.memory_space<hbm>>, %arg7: memref<2x16000x32xf32, #tpu.memory_space<hbm>>, %arg8: memref<16000x32xf32, #tpu.memory_space<vmem_shared>>, %arg9: memref<800xi32, #tpu.memory_space<vmem>>, %arg10: memref<800xi32, #tpu.memory_space<vmem>>, %arg11: memref<800xf32, #tpu.memory_space<vmem>>, %arg12: memref<800x32xf32, #tpu.memory_space<vmem>>, %arg13: memref<800xi32, #tpu.memory_space<vmem>>, %arg14: memref<800xi32, #tpu.memory_space<vmem>>, %arg15: memref<800xf32, #tpu.memory_space<vmem>>, %arg16: memref<800x32xf32, #tpu.memory_space<vmem>>, %arg17: memref<!tpu.dma_semaphore, #tpu.memory_space<semaphore_mem>>, %arg18: memref<!tpu.dma_semaphore, #tpu.memory_space<semaphore_mem>>) attributes {dimension_semantics = [#tpu.dimension_semantics<core_parallel>, #tpu.dimension_semantics<subcore_parallel>], iteration_bounds = array<i64: 2, 16>, scalar_prefetch = 0 : i64, scratch_operands = 11 : i64, tpu.core_type = #tpu.core_type<sc_vector_subcore>, window_params = [{transform_indices = #map}, {transform_indices = #map}, {transform_indices = #map1}, {transform_indices = #map1}, {transform_indices = #map1}, {transform_indices = #map}]} {
    %mul3A = arith.constant 1000 : i32
    %mul3A_0 = arith.muli %arg1, %mul3A : i32
    %mul3A_1 = arith.constant 1000 : i32
    %mul3A_2 = arith.muli %arg1, %mul3A_1 : i32
    "tpu.region"() ({
      %run_scoped3A = tpu.sem_alloc : memref<!tpu.dma_semaphore, #tpu.memory_space<semaphore_mem>>
      %dma_start3A_21 = arith.constant 0 : i32
      %dma_start3A_22 = tpu.memref_slice %arg8[%mul3A_2, %dma_start3A_21] : memref<16000x32xf32, #tpu.memory_space<vmem_shared>> -> memref<1000x32xf32, #tpu.memory_space<vmem_shared>>
      %dma_start3A_23 = arith.constant 0 : i32
      %dma_start3A_24 = arith.constant 0 : i32
      %dma_start3A_25 = tpu.memref_slice %arg3[%arg0, %dma_start3A_23, %dma_start3A_24] : memref<2x16000x32xf32, #tpu.memory_space<hbm>> -> memref<1x16000x32xf32, #tpu.memory_space<hbm>>
      %dma_start3A_26 = tpu.memref_squeeze %dma_start3A_25 : memref<1x16000x32xf32, #tpu.memory_space<hbm>> -> memref<16000x32xf32, #tpu.memory_space<hbm>>
      %dma_start3A_27 = arith.constant 0 : i32
      %dma_start3A_28 = tpu.memref_slice %dma_start3A_26[%mul3A_0, %dma_start3A_27] : memref<16000x32xf32, #tpu.memory_space<hbm>> -> memref<1000x32xf32, #tpu.memory_space<hbm>>
      tpu.enqueue_dma source(%dma_start3A_28 : memref<1000x32xf32, #tpu.memory_space<hbm>>) target(%dma_start3A_22 : memref<1000x32xf32, #tpu.memory_space<vmem_shared>>) target_semaphore(%run_scoped3A : memref<!tpu.dma_semaphore, #tpu.memory_space<semaphore_mem>>)
      %dma_wait3A = arith.constant 0 : i32
      %dma_wait3A_29 = tpu.memref_slice %arg8[%mul3A_2, %dma_wait3A] : memref<16000x32xf32, #tpu.memory_space<vmem_shared>> -> memref<1000x32xf32, #tpu.memory_space<vmem_shared>>
      %dma_wait3A_30 = arith.constant 0 : i32
      %dma_wait3A_31 = arith.constant 0 : i32
      %dma_wait3A_32 = tpu.memref_slice %arg3[%arg0, %dma_wait3A_30, %dma_wait3A_31] : memref<2x16000x32xf32, #tpu.memory_space<hbm>> -> memref<1x16000x32xf32, #tpu.memory_space<hbm>>
      %dma_wait3A_33 = tpu.memref_squeeze %dma_wait3A_32 : memref<1x16000x32xf32, #tpu.memory_space<hbm>> -> memref<16000x32xf32, #tpu.memory_space<hbm>>
      %dma_wait3A_34 = arith.constant 0 : i32
      %dma_wait3A_35 = tpu.memref_slice %dma_wait3A_33[%mul3A_0, %dma_wait3A_34] : memref<16000x32xf32, #tpu.memory_space<hbm>> -> memref<1000x32xf32, #tpu.memory_space<hbm>>
      tpu.wait_dma2 semaphore(%run_scoped3A : memref<!tpu.dma_semaphore, #tpu.memory_space<semaphore_mem>>) src(%dma_wait3A_35 : memref<1000x32xf32, #tpu.memory_space<hbm>>) dst(%dma_wait3A_29 : memref<1000x32xf32, #tpu.memory_space<vmem_shared>>)
      tpu.yield
    }) : () -> ()
    %barrier3A = arith.constant 0 : index
    tpu.barrier barrier_id(%barrier3A)
    %mul3A_3 = arith.constant 32000 : i32
    %mul3A_4 = arith.muli %arg1, %mul3A_3 : i32
    "tpu.region"() ({
      %run_scoped3A = tpu.sem_alloc : memref<!tpu.dma_semaphore, #tpu.memory_space<semaphore_mem>>
      %dma_start3A_21 = tpu.memref_slice %arg4[%mul3A_4] : memref<512000xi32, #tpu.memory_space<hbm>> -> memref<800xi32, #tpu.memory_space<hbm>>
      %dma_start3A_22 = tpu.memref_slice %arg4[%mul3A_4] : memref<512000xi32, #tpu.memory_space<hbm>> -> memref<800xi32, #tpu.memory_space<hbm>>
      tpu.enqueue_dma source(%dma_start3A_22 : memref<800xi32, #tpu.memory_space<hbm>>) target(%arg9 : memref<800xi32, #tpu.memory_space<vmem>>) target_semaphore(%run_scoped3A : memref<!tpu.dma_semaphore, #tpu.memory_space<semaphore_mem>>)
      %dma_wait3A = tpu.memref_slice %arg4[%mul3A_4] : memref<512000xi32, #tpu.memory_space<hbm>> -> memref<800xi32, #tpu.memory_space<hbm>>
      %dma_wait3A_23 = tpu.memref_slice %arg4[%mul3A_4] : memref<512000xi32, #tpu.memory_space<hbm>> -> memref<800xi32, #tpu.memory_space<hbm>>
      tpu.wait_dma2 semaphore(%run_scoped3A : memref<!tpu.dma_semaphore, #tpu.memory_space<semaphore_mem>>) src(%dma_wait3A_23 : memref<800xi32, #tpu.memory_space<hbm>>) dst(%arg9 : memref<800xi32, #tpu.memory_space<vmem>>)
      tpu.yield
    }) : () -> ()
    "tpu.region"() ({
      %run_scoped3A = tpu.sem_alloc : memref<!tpu.dma_semaphore, #tpu.memory_space<semaphore_mem>>
      %dma_start3A_21 = tpu.memref_slice %arg5[%mul3A_4] : memref<512000xi32, #tpu.memory_space<hbm>> -> memref<800xi32, #tpu.memory_space<hbm>>
      %dma_start3A_22 = tpu.memref_slice %arg5[%mul3A_4] : memref<512000xi32, #tpu.memory_space<hbm>> -> memref<800xi32, #tpu.memory_space<hbm>>
      tpu.enqueue_dma source(%dma_start3A_22 : memref<800xi32, #tpu.memory_space<hbm>>) target(%arg10 : memref<800xi32, #tpu.memory_space<vmem>>) target_semaphore(%run_scoped3A : memref<!tpu.dma_semaphore, #tpu.memory_space<semaphore_mem>>)
      %dma_wait3A = tpu.memref_slice %arg5[%mul3A_4] : memref<512000xi32, #tpu.memory_space<hbm>> -> memref<800xi32, #tpu.memory_space<hbm>>
      %dma_wait3A_23 = tpu.memref_slice %arg5[%mul3A_4] : memref<512000xi32, #tpu.memory_space<hbm>> -> memref<800xi32, #tpu.memory_space<hbm>>
      tpu.wait_dma2 semaphore(%run_scoped3A : memref<!tpu.dma_semaphore, #tpu.memory_space<semaphore_mem>>) src(%dma_wait3A_23 : memref<800xi32, #tpu.memory_space<hbm>>) dst(%arg10 : memref<800xi32, #tpu.memory_space<vmem>>)
      tpu.yield
    }) : () -> ()
    "tpu.region"() ({
      %run_scoped3A = tpu.sem_alloc : memref<!tpu.dma_semaphore, #tpu.memory_space<semaphore_mem>>
      %dma_start3A_21 = tpu.memref_slice %arg6[%mul3A_4] : memref<512000xf32, #tpu.memory_space<hbm>> -> memref<800xf32, #tpu.memory_space<hbm>>
      %dma_start3A_22 = tpu.memref_slice %arg6[%mul3A_4] : memref<512000xf32, #tpu.memory_space<hbm>> -> memref<800xf32, #tpu.memory_space<hbm>>
      tpu.enqueue_dma source(%dma_start3A_22 : memref<800xf32, #tpu.memory_space<hbm>>) target(%arg11 : memref<800xf32, #tpu.memory_space<vmem>>) target_semaphore(%run_scoped3A : memref<!tpu.dma_semaphore, #tpu.memory_space<semaphore_mem>>)
      %dma_wait3A = tpu.memref_slice %arg6[%mul3A_4] : memref<512000xf32, #tpu.memory_space<hbm>> -> memref<800xf32, #tpu.memory_space<hbm>>
      %dma_wait3A_23 = tpu.memref_slice %arg6[%mul3A_4] : memref<512000xf32, #tpu.memory_space<hbm>> -> memref<800xf32, #tpu.memory_space<hbm>>
      tpu.wait_dma2 semaphore(%run_scoped3A : memref<!tpu.dma_semaphore, #tpu.memory_space<semaphore_mem>>) src(%dma_wait3A_23 : memref<800xf32, #tpu.memory_space<hbm>>) dst(%arg11 : memref<800xf32, #tpu.memory_space<vmem>>)
      tpu.yield
    }) : () -> ()
    %dma_start3A = arith.constant 0 : i32
    %dma_start3A_5 = arith.constant 0 : i32
    %dma_start3A_6 = tpu.memref_slice %arg2[%arg0, %dma_start3A, %dma_start3A_5] : memref<2x16000x32xf32, #tpu.memory_space<hbm>> -> memref<1x16000x32xf32, #tpu.memory_space<hbm>>
    %dma_start3A_7 = tpu.memref_squeeze %dma_start3A_6 : memref<1x16000x32xf32, #tpu.memory_space<hbm>> -> memref<16000x32xf32, #tpu.memory_space<hbm>>
    %dma_start3A_8 = arith.constant 0 : i32
    %dma_start3A_9 = arith.constant 0 : i32
    %dma_start3A_10 = tpu.memref_slice %dma_start3A_7[%dma_start3A_8, %dma_start3A_9] : memref<16000x32xf32, #tpu.memory_space<hbm>> -> memref<16000x32xf32, #tpu.memory_space<hbm>>
    tpu.enqueue_indirect_dma source(%dma_start3A_10 : memref<16000x32xf32, #tpu.memory_space<hbm>>) target(%arg12 : memref<800x32xf32, #tpu.memory_space<vmem>>) offsets(%arg9 : memref<800xi32, #tpu.memory_space<vmem>>) semaphore(%arg17 : memref<!tpu.dma_semaphore, #tpu.memory_space<semaphore_mem>>)
    %scan3A = arith.constant 0 : i32
    %scan3A_11 = arith.constant 0 : i32
    %scan3A_12 = arith.constant 20 : i32
    %scan3A_13 = arith.addi %scan3A_11, %scan3A_12 : i32
    %scan3A_14 = arith.constant 1 : i32
    scf.for %scan3A_21 = %scan3A_11 to %scan3A_13 step %scan3A_14  : i32 {
      %mul3A_22 = arith.constant 32000 : i32
      %mul3A_23 = arith.muli %arg1, %mul3A_22 : i32
      %mul3A_24 = arith.constant 2 : i32
      %mul3A_25 = arith.muli %mul3A_24, %scan3A_21 : i32
      %add3A = arith.constant 1 : i32
      %add3A_26 = arith.addi %mul3A_25, %add3A : i32
      %mul3A_27 = arith.constant 800 : i32
      %mul3A_28 = arith.muli %add3A_26, %mul3A_27 : i32
      %add3A_29 = arith.addi %mul3A_23, %mul3A_28 : i32
      "tpu.region"() ({
        %run_scoped3A = tpu.sem_alloc : memref<!tpu.dma_semaphore, #tpu.memory_space<semaphore_mem>>
        %dma_start3A_66 = tpu.memref_slice %arg4[%add3A_29] : memref<512000xi32, #tpu.memory_space<hbm>> -> memref<800xi32, #tpu.memory_space<hbm>>
        %dma_start3A_67 = tpu.memref_slice %arg4[%add3A_29] : memref<512000xi32, #tpu.memory_space<hbm>> -> memref<800xi32, #tpu.memory_space<hbm>>
        tpu.enqueue_dma source(%dma_start3A_67 : memref<800xi32, #tpu.memory_space<hbm>>) target(%arg13 : memref<800xi32, #tpu.memory_space<vmem>>) target_semaphore(%run_scoped3A : memref<!tpu.dma_semaphore, #tpu.memory_space<semaphore_mem>>)
        %dma_wait3A_68 = tpu.memref_slice %arg4[%add3A_29] : memref<512000xi32, #tpu.memory_space<hbm>> -> memref<800xi32, #tpu.memory_space<hbm>>
        %dma_wait3A_69 = tpu.memref_slice %arg4[%add3A_29] : memref<512000xi32, #tpu.memory_space<hbm>> -> memref<800xi32, #tpu.memory_space<hbm>>
        tpu.wait_dma2 semaphore(%run_scoped3A : memref<!tpu.dma_semaphore, #tpu.memory_space<semaphore_mem>>) src(%dma_wait3A_69 : memref<800xi32, #tpu.memory_space<hbm>>) dst(%arg13 : memref<800xi32, #tpu.memory_space<vmem>>)
        tpu.yield
      }) : () -> ()
      "tpu.region"() ({
        %run_scoped3A = tpu.sem_alloc : memref<!tpu.dma_semaphore, #tpu.memory_space<semaphore_mem>>
        %dma_start3A_66 = tpu.memref_slice %arg5[%add3A_29] : memref<512000xi32, #tpu.memory_space<hbm>> -> memref<800xi32, #tpu.memory_space<hbm>>
        %dma_start3A_67 = tpu.memref_slice %arg5[%add3A_29] : memref<512000xi32, #tpu.memory_space<hbm>> -> memref<800xi32, #tpu.memory_space<hbm>>
        tpu.enqueue_dma source(%dma_start3A_67 : memref<800xi32, #tpu.memory_space<hbm>>) target(%arg14 : memref<800xi32, #tpu.memory_space<vmem>>) target_semaphore(%run_scoped3A : memref<!tpu.dma_semaphore, #tpu.memory_space<semaphore_mem>>)
        %dma_wait3A_68 = tpu.memref_slice %arg5[%add3A_29] : memref<512000xi32, #tpu.memory_space<hbm>> -> memref<800xi32, #tpu.memory_space<hbm>>
        %dma_wait3A_69 = tpu.memref_slice %arg5[%add3A_29] : memref<512000xi32, #tpu.memory_space<hbm>> -> memref<800xi32, #tpu.memory_space<hbm>>
        tpu.wait_dma2 semaphore(%run_scoped3A : memref<!tpu.dma_semaphore, #tpu.memory_space<semaphore_mem>>) src(%dma_wait3A_69 : memref<800xi32, #tpu.memory_space<hbm>>) dst(%arg14 : memref<800xi32, #tpu.memory_space<vmem>>)
        tpu.yield
      }) : () -> ()
      "tpu.region"() ({
        %run_scoped3A = tpu.sem_alloc : memref<!tpu.dma_semaphore, #tpu.memory_space<semaphore_mem>>
        %dma_start3A_66 = tpu.memref_slice %arg6[%add3A_29] : memref<512000xf32, #tpu.memory_space<hbm>> -> memref<800xf32, #tpu.memory_space<hbm>>
        %dma_start3A_67 = tpu.memref_slice %arg6[%add3A_29] : memref<512000xf32, #tpu.memory_space<hbm>> -> memref<800xf32, #tpu.memory_space<hbm>>
        tpu.enqueue_dma source(%dma_start3A_67 : memref<800xf32, #tpu.memory_space<hbm>>) target(%arg15 : memref<800xf32, #tpu.memory_space<vmem>>) target_semaphore(%run_scoped3A : memref<!tpu.dma_semaphore, #tpu.memory_space<semaphore_mem>>)
        %dma_wait3A_68 = tpu.memref_slice %arg6[%add3A_29] : memref<512000xf32, #tpu.memory_space<hbm>> -> memref<800xf32, #tpu.memory_space<hbm>>
        %dma_wait3A_69 = tpu.memref_slice %arg6[%add3A_29] : memref<512000xf32, #tpu.memory_space<hbm>> -> memref<800xf32, #tpu.memory_space<hbm>>
        tpu.wait_dma2 semaphore(%run_scoped3A : memref<!tpu.dma_semaphore, #tpu.memory_space<semaphore_mem>>) src(%dma_wait3A_69 : memref<800xf32, #tpu.memory_space<hbm>>) dst(%arg15 : memref<800xf32, #tpu.memory_space<vmem>>)
        tpu.yield
      }) : () -> ()
      %dma_start3A_30 = arith.constant 0 : i32
      %dma_start3A_31 = arith.constant 0 : i32
      %dma_start3A_32 = tpu.memref_slice %arg2[%arg0, %dma_start3A_30, %dma_start3A_31] : memref<2x16000x32xf32, #tpu.memory_space<hbm>> -> memref<1x16000x32xf32, #tpu.memory_space<hbm>>
      %dma_start3A_33 = tpu.memref_squeeze %dma_start3A_32 : memref<1x16000x32xf32, #tpu.memory_space<hbm>> -> memref<16000x32xf32, #tpu.memory_space<hbm>>
      %dma_start3A_34 = arith.constant 0 : i32
      %dma_start3A_35 = arith.constant 0 : i32
      %dma_start3A_36 = tpu.memref_slice %dma_start3A_33[%dma_start3A_34, %dma_start3A_35] : memref<16000x32xf32, #tpu.memory_space<hbm>> -> memref<16000x32xf32, #tpu.memory_space<hbm>>
      tpu.enqueue_indirect_dma source(%dma_start3A_36 : memref<16000x32xf32, #tpu.memory_space<hbm>>) target(%arg16 : memref<800x32xf32, #tpu.memory_space<vmem>>) offsets(%arg13 : memref<800xi32, #tpu.memory_space<vmem>>) semaphore(%arg18 : memref<!tpu.dma_semaphore, #tpu.memory_space<semaphore_mem>>)
      %dma_wait3A = arith.constant 0 : i32
      %dma_wait3A_37 = arith.constant 0 : i32
      %dma_wait3A_38 = tpu.memref_slice %arg2[%arg0, %dma_wait3A, %dma_wait3A_37] : memref<2x16000x32xf32, #tpu.memory_space<hbm>> -> memref<1x16000x32xf32, #tpu.memory_space<hbm>>
      %dma_wait3A_39 = tpu.memref_squeeze %dma_wait3A_38 : memref<1x16000x32xf32, #tpu.memory_space<hbm>> -> memref<16000x32xf32, #tpu.memory_space<hbm>>
      %dma_wait3A_40 = arith.constant 0 : i32
      %dma_wait3A_41 = arith.constant 0 : i32
      %dma_wait3A_42 = tpu.memref_slice %dma_wait3A_39[%dma_wait3A_40, %dma_wait3A_41] : memref<16000x32xf32, #tpu.memory_space<hbm>> -> memref<16000x32xf32, #tpu.memory_space<hbm>>
      tpu.wait_indirect_dma semaphore(%arg17 : memref<!tpu.dma_semaphore, #tpu.memory_space<semaphore_mem>>) src(%dma_wait3A_42 : memref<16000x32xf32, #tpu.memory_space<hbm>>) dst(%arg12 : memref<800x32xf32, #tpu.memory_space<vmem>>)
      %scan3A_43 = arith.constant 0 : i32
      %scan3A_44 = arith.constant 0 : i32
      %scan3A_45 = arith.constant 50 : i32
      %scan3A_46 = arith.addi %scan3A_44, %scan3A_45 : i32
      %scan3A_47 = arith.constant 1 : i32
      scf.for %scan3A_66 = %scan3A_44 to %scan3A_46 step %scan3A_47  : i32 {
        %mul3A_67 = arith.constant 16 : i32
        %mul3A_68 = arith.muli %scan3A_66, %mul3A_67 : i32
        %get3A = arith.index_cast %mul3A_68 : i32 to index
        %get3A_69 = tpu.vector_load %arg11[%get3A] {strides = array<i32>} : memref<800xf32, #tpu.memory_space<vmem>>, vector<16xf32>,
        %mul3A_70 = arith.constant 16 : i32
        %mul3A_71 = arith.muli %scan3A_66, %mul3A_70 : i32
        %add3A_72 = arith.constant 0 : i32
        %add3A_73 = arith.addi %mul3A_71, %add3A_72 : i32
        %slice3A = vector.extract_strided_slice %get3A_69 {offsets = [0], sizes = [1], strides = [1]} : vector<16xf32> to vector<1xf32>
        %squeeze3A = vector.extract %slice3A[0] : f32 from vector<1xf32>
        %get3A_74 = arith.index_cast %add3A_73 : i32 to index
        %get3A_75 = arith.constant 0 : index
        %get3A_76 = tpu.vector_load %arg12[%get3A_74, %get3A_75] {strides = array<i32>} : memref<800x32xf32, #tpu.memory_space<vmem>>, vector<16xf32>,
        %mul3A_77 = vector.broadcast %squeeze3A : f32 to vector<16xf32>
        %mul3A_78 = arith.mulf %get3A_76, %mul3A_77 : vector<16xf32>
        %swap3A = arith.index_cast %add3A_73 : i32 to index
        %swap3A_79 = arith.constant 0 : index
        %swap3A_80 = tpu.vector_load %arg12[%swap3A, %swap3A_79] {strides = array<i32>} : memref<800x32xf32, #tpu.memory_space<vmem>>, vector<16xf32>,
        tpu.vector_store %arg12[%swap3A, %swap3A_79], %mul3A_78 {strides = array<i32>} : memref<800x32xf32, #tpu.memory_space<vmem>>, vector<16xf32>,
        %get3A_81 = arith.index_cast %add3A_73 : i32 to index
        %get3A_82 = arith.constant 16 : index
        %get3A_83 = tpu.vector_load %arg12[%get3A_81, %get3A_82] {strides = array<i32>} : memref<800x32xf32, #tpu.memory_space<vmem>>, vector<16xf32>,
        %mul3A_84 = vector.broadcast %squeeze3A : f32 to vector<16xf32>
        %mul3A_85 = arith.mulf %get3A_83, %mul3A_84 : vector<16xf32>
        %swap3A_86 = arith.index_cast %add3A_73 : i32 to index
        %swap3A_87 = arith.constant 16 : index
        %swap3A_88 = tpu.vector_load %arg12[%swap3A_86, %swap3A_87] {strides = array<i32>} : memref<800x32xf32, #tpu.memory_space<vmem>>, vector<16xf32>,
        tpu.vector_store %arg12[%swap3A_86, %swap3A_87], %mul3A_85 {strides = array<i32>} : memref<800x32xf32, #tpu.memory_space<vmem>>, vector<16xf32>,
        %mul3A_89 = arith.constant 16 : i32
        %mul3A_90 = arith.muli %scan3A_66, %mul3A_89 : i32
        %add3A_91 = arith.constant 1 : i32
        %add3A_92 = arith.addi %mul3A_90, %add3A_91 : i32
        %slice3A_93 = vector.extract_strided_slice %get3A_69 {offsets = [1], sizes = [1], strides = [1]} : vector<16xf32> to vector<1xf32>
        %squeeze3A_94 = vector.extract %slice3A_93[0] : f32 from vector<1xf32>
        %get3A_95 = arith.index_cast %add3A_92 : i32 to index
        %get3A_96 = arith.constant 0 : index
        %get3A_97 = tpu.vector_load %arg12[%get3A_95, %get3A_96] {strides = array<i32>} : memref<800x32xf32, #tpu.memory_space<vmem>>, vector<16xf32>,
        %mul3A_98 = vector.broadcast %squeeze3A_94 : f32 to vector<16xf32>
        %mul3A_99 = arith.mulf %get3A_97, %mul3A_98 : vector<16xf32>
        %swap3A_100 = arith.index_cast %add3A_92 : i32 to index
        %swap3A_101 = arith.constant 0 : index
        %swap3A_102 = tpu.vector_load %arg12[%swap3A_100, %swap3A_101] {strides = array<i32>} : memref<800x32xf32, #tpu.memory_space<vmem>>, vector<16xf32>,
        tpu.vector_store %arg12[%swap3A_100, %swap3A_101], %mul3A_99 {strides = array<i32>} : memref<800x32xf32, #tpu.memory_space<vmem>>, vector<16xf32>,
        %get3A_103 = arith.index_cast %add3A_92 : i32 to index
        %get3A_104 = arith.constant 16 : index
        %get3A_105 = tpu.vector_load %arg12[%get3A_103, %get3A_104] {strides = array<i32>} : memref<800x32xf32, #tpu.memory_space<vmem>>, vector<16xf32>,
        %mul3A_106 = vector.broadcast %squeeze3A_94 : f32 to vector<16xf32>
        %mul3A_107 = arith.mulf %get3A_105, %mul3A_106 : vector<16xf32>
        %swap3A_108 = arith.index_cast %add3A_92 : i32 to index
        %swap3A_109 = arith.constant 16 : index
        %swap3A_110 = tpu.vector_load %arg12[%swap3A_108, %swap3A_109] {strides = array<i32>} : memref<800x32xf32, #tpu.memory_space<vmem>>, vector<16xf32>,
        tpu.vector_store %arg12[%swap3A_108, %swap3A_109], %mul3A_107 {strides = array<i32>} : memref<800x32xf32, #tpu.memory_space<vmem>>, vector<16xf32>,
        %mul3A_111 = arith.constant 16 : i32
        %mul3A_112 = arith.muli %scan3A_66, %mul3A_111 : i32
        %add3A_113 = arith.constant 2 : i32
        %add3A_114 = arith.addi %mul3A_112, %add3A_113 : i32
        %slice3A_115 = vector.extract_strided_slice %get3A_69 {offsets = [2], sizes = [1], strides = [1]} : vector<16xf32> to vector<1xf32>
        %squeeze3A_116 = vector.extract %slice3A_115[0] : f32 from vector<1xf32>
        %get3A_117 = arith.index_cast %add3A_114 : i32 to index
        %get3A_118 = arith.constant 0 : index
        %get3A_119 = tpu.vector_load %arg12[%get3A_117, %get3A_118] {strides = array<i32>} : memref<800x32xf32, #tpu.memory_space<vmem>>, vector<16xf32>,
        %mul3A_120 = vector.broadcast %squeeze3A_116 : f32 to vector<16xf32>
        %mul3A_121 = arith.mulf %get3A_119, %mul3A_120 : vector<16xf32>
        %swap3A_122 = arith.index_cast %add3A_114 : i32 to index
        %swap3A_123 = arith.constant 0 : index
        %swap3A_124 = tpu.vector_load %arg12[%swap3A_122, %swap3A_123] {strides = array<i32>} : memref<800x32xf32, #tpu.memory_space<vmem>>, vector<16xf32>,
        tpu.vector_store %arg12[%swap3A_122, %swap3A_123], %mul3A_121 {strides = array<i32>} : memref<800x32xf32, #tpu.memory_space<vmem>>, vector<16xf32>,
        %get3A_125 = arith.index_cast %add3A_114 : i32 to index
        %get3A_126 = arith.constant 16 : index
        %get3A_127 = tpu.vector_load %arg12[%get3A_125, %get3A_126] {strides = array<i32>} : memref<800x32xf32, #tpu.memory_space<vmem>>, vector<16xf32>,
        %mul3A_128 = vector.broadcast %squeeze3A_116 : f32 to vector<16xf32>
        %mul3A_129 = arith.mulf %get3A_127, %mul3A_128 : vector<16xf32>
        %swap3A_130 = arith.index_cast %add3A_114 : i32 to index
        %swap3A_131 = arith.constant 16 : index
        %swap3A_132 = tpu.vector_load %arg12[%swap3A_130, %swap3A_131] {strides = array<i32>} : memref<800x32xf32, #tpu.memory_space<vmem>>, vector<16xf32>,
        tpu.vector_store %arg12[%swap3A_130, %swap3A_131], %mul3A_129 {strides = array<i32>} : memref<800x32xf32, #tpu.memory_space<vmem>>, vector<16xf32>,
        %mul3A_133 = arith.constant 16 : i32
        %mul3A_134 = arith.muli %scan3A_66, %mul3A_133 : i32
        %add3A_135 = arith.constant 3 : i32
        %add3A_136 = arith.addi %mul3A_134, %add3A_135 : i32
        %slice3A_137 = vector.extract_strided_slice %get3A_69 {offsets = [3], sizes = [1], strides = [1]} : vector<16xf32> to vector<1xf32>
        %squeeze3A_138 = vector.extract %slice3A_137[0] : f32 from vector<1xf32>
        %get3A_139 = arith.index_cast %add3A_136 : i32 to index
        %get3A_140 = arith.constant 0 : index
        %get3A_141 = tpu.vector_load %arg12[%get3A_139, %get3A_140] {strides = array<i32>} : memref<800x32xf32, #tpu.memory_space<vmem>>, vector<16xf32>,
        %mul3A_142 = vector.broadcast %squeeze3A_138 : f32 to vector<16xf32>
        %mul3A_143 = arith.mulf %get3A_141, %mul3A_142 : vector<16xf32>
        %swap3A_144 = arith.index_cast %add3A_136 : i32 to index
        %swap3A_145 = arith.constant 0 : index
        %swap3A_146 = tpu.vector_load %arg12[%swap3A_144, %swap3A_145] {strides = array<i32>} : memref<800x32xf32, #tpu.memory_space<vmem>>, vector<16xf32>,
        tpu.vector_store %arg12[%swap3A_144, %swap3A_145], %mul3A_143 {strides = array<i32>} : memref<800x32xf32, #tpu.memory_space<vmem>>, vector<16xf32>,
        %get3A_147 = arith.index_cast %add3A_136 : i32 to index
        %get3A_148 = arith.constant 16 : index
        %get3A_149 = tpu.vector_load %arg12[%get3A_147, %get3A_148] {strides = array<i32>} : memref<800x32xf32, #tpu.memory_space<vmem>>, vector<16xf32>,
        %mul3A_150 = vector.broadcast %squeeze3A_138 : f32 to vector<16xf32>
        %mul3A_151 = arith.mulf %get3A_149, %mul3A_150 : vector<16xf32>
        %swap3A_152 = arith.index_cast %add3A_136 : i32 to index
        %swap3A_153 = arith.constant 16 : index
        %swap3A_154 = tpu.vector_load %arg12[%swap3A_152, %swap3A_153] {strides = array<i32>} : memref<800x32xf32, #tpu.memory_space<vmem>>, vector<16xf32>,
        tpu.vector_store %arg12[%swap3A_152, %swap3A_153], %mul3A_151 {strides = array<i32>} : memref<800x32xf32, #tpu.memory_space<vmem>>, vector<16xf32>,
        %mul3A_155 = arith.constant 16 : i32
        %mul3A_156 = arith.muli %scan3A_66, %mul3A_155 : i32
        %add3A_157 = arith.constant 4 : i32
        %add3A_158 = arith.addi %mul3A_156, %add3A_157 : i32
        %slice3A_159 = vector.extract_strided_slice %get3A_69 {offsets = [4], sizes = [1], strides = [1]} : vector<16xf32> to vector<1xf32>
        %squeeze3A_160 = vector.extract %slice3A_159[0] : f32 from vector<1xf32>
        %get3A_161 = arith.index_cast %add3A_158 : i32 to index
        %get3A_162 = arith.constant 0 : index
        %get3A_163 = tpu.vector_load %arg12[%get3A_161, %get3A_162] {strides = array<i32>} : memref<800x32xf32, #tpu.memory_space<vmem>>, vector<16xf32>,
        %mul3A_164 = vector.broadcast %squeeze3A_160 : f32 to vector<16xf32>
        %mul3A_165 = arith.mulf %get3A_163, %mul3A_164 : vector<16xf32>
        %swap3A_166 = arith.index_cast %add3A_158 : i32 to index
        %swap3A_167 = arith.constant 0 : index
        %swap3A_168 = tpu.vector_load %arg12[%swap3A_166, %swap3A_167] {strides = array<i32>} : memref<800x32xf32, #tpu.memory_space<vmem>>, vector<16xf32>,
        tpu.vector_store %arg12[%swap3A_166, %swap3A_167], %mul3A_165 {strides = array<i32>} : memref<800x32xf32, #tpu.memory_space<vmem>>, vector<16xf32>,
        %get3A_169 = arith.index_cast %add3A_158 : i32 to index
        %get3A_170 = arith.constant 16 : index
        %get3A_171 = tpu.vector_load %arg12[%get3A_169, %get3A_170] {strides = array<i32>} : memref<800x32xf32, #tpu.memory_space<vmem>>, vector<16xf32>,
        %mul3A_172 = vector.broadcast %squeeze3A_160 : f32 to vector<16xf32>
        %mul3A_173 = arith.mulf %get3A_171, %mul3A_172 : vector<16xf32>
        %swap3A_174 = arith.index_cast %add3A_158 : i32 to index
        %swap3A_175 = arith.constant 16 : index
        %swap3A_176 = tpu.vector_load %arg12[%swap3A_174, %swap3A_175] {strides = array<i32>} : memref<800x32xf32, #tpu.memory_space<vmem>>, vector<16xf32>,
        tpu.vector_store %arg12[%swap3A_174, %swap3A_175], %mul3A_173 {strides = array<i32>} : memref<800x32xf32, #tpu.memory_space<vmem>>, vector<16xf32>,
        %mul3A_177 = arith.constant 16 : i32
        %mul3A_178 = arith.muli %scan3A_66, %mul3A_177 : i32
        %add3A_179 = arith.constant 5 : i32
        %add3A_180 = arith.addi %mul3A_178, %add3A_179 : i32
        %slice3A_181 = vector.extract_strided_slice %get3A_69 {offsets = [5], sizes = [1], strides = [1]} : vector<16xf32> to vector<1xf32>
        %squeeze3A_182 = vector.extract %slice3A_181[0] : f32 from vector<1xf32>
        %get3A_183 = arith.index_cast %add3A_180 : i32 to index
        %get3A_184 = arith.constant 0 : index
        %get3A_185 = tpu.vector_load %arg12[%get3A_183, %get3A_184] {strides = array<i32>} : memref<800x32xf32, #tpu.memory_space<vmem>>, vector<16xf32>,
        %mul3A_186 = vector.broadcast %squeeze3A_182 : f32 to vector<16xf32>
        %mul3A_187 = arith.mulf %get3A_185, %mul3A_186 : vector<16xf32>
        %swap3A_188 = arith.index_cast %add3A_180 : i32 to index
        %swap3A_189 = arith.constant 0 : index
        %swap3A_190 = tpu.vector_load %arg12[%swap3A_188, %swap3A_189] {strides = array<i32>} : memref<800x32xf32, #tpu.memory_space<vmem>>, vector<16xf32>,
        tpu.vector_store %arg12[%swap3A_188, %swap3A_189], %mul3A_187 {strides = array<i32>} : memref<800x32xf32, #tpu.memory_space<vmem>>, vector<16xf32>,
        %get3A_191 = arith.index_cast %add3A_180 : i32 to index
        %get3A_192 = arith.constant 16 : index
        %get3A_193 = tpu.vector_load %arg12[%get3A_191, %get3A_192] {strides = array<i32>} : memref<800x32xf32, #tpu.memory_space<vmem>>, vector<16xf32>,
        %mul3A_194 = vector.broadcast %squeeze3A_182 : f32 to vector<16xf32>
        %mul3A_195 = arith.mulf %get3A_193, %mul3A_194 : vector<16xf32>
        %swap3A_196 = arith.index_cast %add3A_180 : i32 to index
        %swap3A_197 = arith.constant 16 : index
        %swap3A_198 = tpu.vector_load %arg12[%swap3A_196, %swap3A_197] {strides = array<i32>} : memref<800x32xf32, #tpu.memory_space<vmem>>, vector<16xf32>,
        tpu.vector_store %arg12[%swap3A_196, %swap3A_197], %mul3A_195 {strides = array<i32>} : memref<800x32xf32, #tpu.memory_space<vmem>>, vector<16xf32>,
        %mul3A_199 = arith.constant 16 : i32
        %mul3A_200 = arith.muli %scan3A_66, %mul3A_199 : i32
        %add3A_201 = arith.constant 6 : i32
        %add3A_202 = arith.addi %mul3A_200, %add3A_201 : i32
        %slice3A_203 = vector.extract_strided_slice %get3A_69 {offsets = [6], sizes = [1], strides = [1]} : vector<16xf32> to vector<1xf32>
        %squeeze3A_204 = vector.extract %slice3A_203[0] : f32 from vector<1xf32>
        %get3A_205 = arith.index_cast %add3A_202 : i32 to index
        %get3A_206 = arith.constant 0 : index
        %get3A_207 = tpu.vector_load %arg12[%get3A_205, %get3A_206] {strides = array<i32>} : memref<800x32xf32, #tpu.memory_space<vmem>>, vector<16xf32>,
        %mul3A_208 = vector.broadcast %squeeze3A_204 : f32 to vector<16xf32>
        %mul3A_209 = arith.mulf %get3A_207, %mul3A_208 : vector<16xf32>
        %swap3A_210 = arith.index_cast %add3A_202 : i32 to index
        %swap3A_211 = arith.constant 0 : index
        %swap3A_212 = tpu.vector_load %arg12[%swap3A_210, %swap3A_211] {strides = array<i32>} : memref<800x32xf32, #tpu.memory_space<vmem>>, vector<16xf32>,
        tpu.vector_store %arg12[%swap3A_210, %swap3A_211], %mul3A_209 {strides = array<i32>} : memref<800x32xf32, #tpu.memory_space<vmem>>, vector<16xf32>,
        %get3A_213 = arith.index_cast %add3A_202 : i32 to index
        %get3A_214 = arith.constant 16 : index
        %get3A_215 = tpu.vector_load %arg12[%get3A_213, %get3A_214] {strides = array<i32>} : memref<800x32xf32, #tpu.memory_space<vmem>>, vector<16xf32>,
        %mul3A_216 = vector.broadcast %squeeze3A_204 : f32 to vector<16xf32>
        %mul3A_217 = arith.mulf %get3A_215, %mul3A_216 : vector<16xf32>
        %swap3A_218 = arith.index_cast %add3A_202 : i32 to index
        %swap3A_219 = arith.constant 16 : index
        %swap3A_220 = tpu.vector_load %arg12[%swap3A_218, %swap3A_219] {strides = array<i32>} : memref<800x32xf32, #tpu.memory_space<vmem>>, vector<16xf32>,
        tpu.vector_store %arg12[%swap3A_218, %swap3A_219], %mul3A_217 {strides = array<i32>} : memref<800x32xf32, #tpu.memory_space<vmem>>, vector<16xf32>,
        %mul3A_221 = arith.constant 16 : i32
        %mul3A_222 = arith.muli %scan3A_66, %mul3A_221 : i32
        %add3A_223 = arith.constant 7 : i32
        %add3A_224 = arith.addi %mul3A_222, %add3A_223 : i32
        %slice3A_225 = vector.extract_strided_slice %get3A_69 {offsets = [7], sizes = [1], strides = [1]} : vector<16xf32> to vector<1xf32>
        %squeeze3A_226 = vector.extract %slice3A_225[0] : f32 from vector<1xf32>
        %get3A_227 = arith.index_cast %add3A_224 : i32 to index
        %get3A_228 = arith.constant 0 : index
        %get3A_229 = tpu.vector_load %arg12[%get3A_227, %get3A_228] {strides = array<i32>} : memref<800x32xf32, #tpu.memory_space<vmem>>, vector<16xf32>,
        %mul3A_230 = vector.broadcast %squeeze3A_226 : f32 to vector<16xf32>
        %mul3A_231 = arith.mulf %get3A_229, %mul3A_230 : vector<16xf32>
        %swap3A_232 = arith.index_cast %add3A_224 : i32 to index
        %swap3A_233 = arith.constant 0 : index
        %swap3A_234 = tpu.vector_load %arg12[%swap3A_232, %swap3A_233] {strides = array<i32>} : memref<800x32xf32, #tpu.memory_space<vmem>>, vector<16xf32>,
        tpu.vector_store %arg12[%swap3A_232, %swap3A_233], %mul3A_231 {strides = array<i32>} : memref<800x32xf32, #tpu.memory_space<vmem>>, vector<16xf32>,
        %get3A_235 = arith.index_cast %add3A_224 : i32 to index
        %get3A_236 = arith.constant 16 : index
        %get3A_237 = tpu.vector_load %arg12[%get3A_235, %get3A_236] {strides = array<i32>} : memref<800x32xf32, #tpu.memory_space<vmem>>, vector<16xf32>,
        %mul3A_238 = vector.broadcast %squeeze3A_226 : f32 to vector<16xf32>
        %mul3A_239 = arith.mulf %get3A_237, %mul3A_238 : vector<16xf32>
        %swap3A_240 = arith.index_cast %add3A_224 : i32 to index
        %swap3A_241 = arith.constant 16 : index
        %swap3A_242 = tpu.vector_load %arg12[%swap3A_240, %swap3A_241] {strides = array<i32>} : memref<800x32xf32, #tpu.memory_space<vmem>>, vector<16xf32>,
        tpu.vector_store %arg12[%swap3A_240, %swap3A_241], %mul3A_239 {strides = array<i32>} : memref<800x32xf32, #tpu.memory_space<vmem>>, vector<16xf32>,
        %mul3A_243 = arith.constant 16 : i32
        %mul3A_244 = arith.muli %scan3A_66, %mul3A_243 : i32
        %add3A_245 = arith.constant 8 : i32
        %add3A_246 = arith.addi %mul3A_244, %add3A_245 : i32
        %slice3A_247 = vector.extract_strided_slice %get3A_69 {offsets = [8], sizes = [1], strides = [1]} : vector<16xf32> to vector<1xf32>
        %squeeze3A_248 = vector.extract %slice3A_247[0] : f32 from vector<1xf32>
        %get3A_249 = arith.index_cast %add3A_246 : i32 to index
        %get3A_250 = arith.constant 0 : index
        %get3A_251 = tpu.vector_load %arg12[%get3A_249, %get3A_250] {strides = array<i32>} : memref<800x32xf32, #tpu.memory_space<vmem>>, vector<16xf32>,
        %mul3A_252 = vector.broadcast %squeeze3A_248 : f32 to vector<16xf32>
        %mul3A_253 = arith.mulf %get3A_251, %mul3A_252 : vector<16xf32>
        %swap3A_254 = arith.index_cast %add3A_246 : i32 to index
        %swap3A_255 = arith.constant 0 : index
        %swap3A_256 = tpu.vector_load %arg12[%swap3A_254, %swap3A_255] {strides = array<i32>} : memref<800x32xf32, #tpu.memory_space<vmem>>, vector<16xf32>,
        tpu.vector_store %arg12[%swap3A_254, %swap3A_255], %mul3A_253 {strides = array<i32>} : memref<800x32xf32, #tpu.memory_space<vmem>>, vector<16xf32>,
        %get3A_257 = arith.index_cast %add3A_246 : i32 to index
        %get3A_258 = arith.constant 16 : index
        %get3A_259 = tpu.vector_load %arg12[%get3A_257, %get3A_258] {strides = array<i32>} : memref<800x32xf32, #tpu.memory_space<vmem>>, vector<16xf32>,
        %mul3A_260 = vector.broadcast %squeeze3A_248 : f32 to vector<16xf32>
        %mul3A_261 = arith.mulf %get3A_259, %mul3A_260 : vector<16xf32>
        %swap3A_262 = arith.index_cast %add3A_246 : i32 to index
        %swap3A_263 = arith.constant 16 : index
        %swap3A_264 = tpu.vector_load %arg12[%swap3A_262, %swap3A_263] {strides = array<i32>} : memref<800x32xf32, #tpu.memory_space<vmem>>, vector<16xf32>,
        tpu.vector_store %arg12[%swap3A_262, %swap3A_263], %mul3A_261 {strides = array<i32>} : memref<800x32xf32, #tpu.memory_space<vmem>>, vector<16xf32>,
        %mul3A_265 = arith.constant 16 : i32
        %mul3A_266 = arith.muli %scan3A_66, %mul3A_265 : i32
        %add3A_267 = arith.constant 9 : i32
        %add3A_268 = arith.addi %mul3A_266, %add3A_267 : i32
        %slice3A_269 = vector.extract_strided_slice %get3A_69 {offsets = [9], sizes = [1], strides = [1]} : vector<16xf32> to vector<1xf32>
        %squeeze3A_270 = vector.extract %slice3A_269[0] : f32 from vector<1xf32>
        %get3A_271 = arith.index_cast %add3A_268 : i32 to index
        %get3A_272 = arith.constant 0 : index
        %get3A_273 = tpu.vector_load %arg12[%get3A_271, %get3A_272] {strides = array<i32>} : memref<800x32xf32, #tpu.memory_space<vmem>>, vector<16xf32>,
        %mul3A_274 = vector.broadcast %squeeze3A_270 : f32 to vector<16xf32>
        %mul3A_275 = arith.mulf %get3A_273, %mul3A_274 : vector<16xf32>
        %swap3A_276 = arith.index_cast %add3A_268 : i32 to index
        %swap3A_277 = arith.constant 0 : index
        %swap3A_278 = tpu.vector_load %arg12[%swap3A_276, %swap3A_277] {strides = array<i32>} : memref<800x32xf32, #tpu.memory_space<vmem>>, vector<16xf32>,
        tpu.vector_store %arg12[%swap3A_276, %swap3A_277], %mul3A_275 {strides = array<i32>} : memref<800x32xf32, #tpu.memory_space<vmem>>, vector<16xf32>,
        %get3A_279 = arith.index_cast %add3A_268 : i32 to index
        %get3A_280 = arith.constant 16 : index
        %get3A_281 = tpu.vector_load %arg12[%get3A_279, %get3A_280] {strides = array<i32>} : memref<800x32xf32, #tpu.memory_space<vmem>>, vector<16xf32>,
        %mul3A_282 = vector.broadcast %squeeze3A_270 : f32 to vector<16xf32>
        %mul3A_283 = arith.mulf %get3A_281, %mul3A_282 : vector<16xf32>
        %swap3A_284 = arith.index_cast %add3A_268 : i32 to index
        %swap3A_285 = arith.constant 16 : index
        %swap3A_286 = tpu.vector_load %arg12[%swap3A_284, %swap3A_285] {strides = array<i32>} : memref<800x32xf32, #tpu.memory_space<vmem>>, vector<16xf32>,
        tpu.vector_store %arg12[%swap3A_284, %swap3A_285], %mul3A_283 {strides = array<i32>} : memref<800x32xf32, #tpu.memory_space<vmem>>, vector<16xf32>,
        %mul3A_287 = arith.constant 16 : i32
        %mul3A_288 = arith.muli %scan3A_66, %mul3A_287 : i32
        %add3A_289 = arith.constant 10 : i32
        %add3A_290 = arith.addi %mul3A_288, %add3A_289 : i32
        %slice3A_291 = vector.extract_strided_slice %get3A_69 {offsets = [10], sizes = [1], strides = [1]} : vector<16xf32> to vector<1xf32>
        %squeeze3A_292 = vector.extract %slice3A_291[0] : f32 from vector<1xf32>
        %get3A_293 = arith.index_cast %add3A_290 : i32 to index
        %get3A_294 = arith.constant 0 : index
        %get3A_295 = tpu.vector_load %arg12[%get3A_293, %get3A_294] {strides = array<i32>} : memref<800x32xf32, #tpu.memory_space<vmem>>, vector<16xf32>,
        %mul3A_296 = vector.broadcast %squeeze3A_292 : f32 to vector<16xf32>
        %mul3A_297 = arith.mulf %get3A_295, %mul3A_296 : vector<16xf32>
        %swap3A_298 = arith.index_cast %add3A_290 : i32 to index
        %swap3A_299 = arith.constant 0 : index
        %swap3A_300 = tpu.vector_load %arg12[%swap3A_298, %swap3A_299] {strides = array<i32>} : memref<800x32xf32, #tpu.memory_space<vmem>>, vector<16xf32>,
        tpu.vector_store %arg12[%swap3A_298, %swap3A_299], %mul3A_297 {strides = array<i32>} : memref<800x32xf32, #tpu.memory_space<vmem>>, vector<16xf32>,
        %get3A_301 = arith.index_cast %add3A_290 : i32 to index
        %get3A_302 = arith.constant 16 : index
        %get3A_303 = tpu.vector_load %arg12[%get3A_301, %get3A_302] {strides = array<i32>} : memref<800x32xf32, #tpu.memory_space<vmem>>, vector<16xf32>,
        %mul3A_304 = vector.broadcast %squeeze3A_292 : f32 to vector<16xf32>
        %mul3A_305 = arith.mulf %get3A_303, %mul3A_304 : vector<16xf32>
        %swap3A_306 = arith.index_cast %add3A_290 : i32 to index
        %swap3A_307 = arith.constant 16 : index
        %swap3A_308 = tpu.vector_load %arg12[%swap3A_306, %swap3A_307] {strides = array<i32>} : memref<800x32xf32, #tpu.memory_space<vmem>>, vector<16xf32>,
        tpu.vector_store %arg12[%swap3A_306, %swap3A_307], %mul3A_305 {strides = array<i32>} : memref<800x32xf32, #tpu.memory_space<vmem>>, vector<16xf32>,
        %mul3A_309 = arith.constant 16 : i32
        %mul3A_310 = arith.muli %scan3A_66, %mul3A_309 : i32
        %add3A_311 = arith.constant 11 : i32
        %add3A_312 = arith.addi %mul3A_310, %add3A_311 : i32
        %slice3A_313 = vector.extract_strided_slice %get3A_69 {offsets = [11], sizes = [1], strides = [1]} : vector<16xf32> to vector<1xf32>
        %squeeze3A_314 = vector.extract %slice3A_313[0] : f32 from vector<1xf32>
        %get3A_315 = arith.index_cast %add3A_312 : i32 to index
        %get3A_316 = arith.constant 0 : index
        %get3A_317 = tpu.vector_load %arg12[%get3A_315, %get3A_316] {strides = array<i32>} : memref<800x32xf32, #tpu.memory_space<vmem>>, vector<16xf32>,
        %mul3A_318 = vector.broadcast %squeeze3A_314 : f32 to vector<16xf32>
        %mul3A_319 = arith.mulf %get3A_317, %mul3A_318 : vector<16xf32>
        %swap3A_320 = arith.index_cast %add3A_312 : i32 to index
        %swap3A_321 = arith.constant 0 : index
        %swap3A_322 = tpu.vector_load %arg12[%swap3A_320, %swap3A_321] {strides = array<i32>} : memref<800x32xf32, #tpu.memory_space<vmem>>, vector<16xf32>,
        tpu.vector_store %arg12[%swap3A_320, %swap3A_321], %mul3A_319 {strides = array<i32>} : memref<800x32xf32, #tpu.memory_space<vmem>>, vector<16xf32>,
        %get3A_323 = arith.index_cast %add3A_312 : i32 to index
        %get3A_324 = arith.constant 16 : index
        %get3A_325 = tpu.vector_load %arg12[%get3A_323, %get3A_324] {strides = array<i32>} : memref<800x32xf32, #tpu.memory_space<vmem>>, vector<16xf32>,
        %mul3A_326 = vector.broadcast %squeeze3A_314 : f32 to vector<16xf32>
        %mul3A_327 = arith.mulf %get3A_325, %mul3A_326 : vector<16xf32>
        %swap3A_328 = arith.index_cast %add3A_312 : i32 to index
        %swap3A_329 = arith.constant 16 : index
        %swap3A_330 = tpu.vector_load %arg12[%swap3A_328, %swap3A_329] {strides = array<i32>} : memref<800x32xf32, #tpu.memory_space<vmem>>, vector<16xf32>,
        tpu.vector_store %arg12[%swap3A_328, %swap3A_329], %mul3A_327 {strides = array<i32>} : memref<800x32xf32, #tpu.memory_space<vmem>>, vector<16xf32>,
        %mul3A_331 = arith.constant 16 : i32
        %mul3A_332 = arith.muli %scan3A_66, %mul3A_331 : i32
        %add3A_333 = arith.constant 12 : i32
        %add3A_334 = arith.addi %mul3A_332, %add3A_333 : i32
        %slice3A_335 = vector.extract_strided_slice %get3A_69 {offsets = [12], sizes = [1], strides = [1]} : vector<16xf32> to vector<1xf32>
        %squeeze3A_336 = vector.extract %slice3A_335[0] : f32 from vector<1xf32>
        %get3A_337 = arith.index_cast %add3A_334 : i32 to index
        %get3A_338 = arith.constant 0 : index
        %get3A_339 = tpu.vector_load %arg12[%get3A_337, %get3A_338] {strides = array<i32>} : memref<800x32xf32, #tpu.memory_space<vmem>>, vector<16xf32>,
        %mul3A_340 = vector.broadcast %squeeze3A_336 : f32 to vector<16xf32>
        %mul3A_341 = arith.mulf %get3A_339, %mul3A_340 : vector<16xf32>
        %swap3A_342 = arith.index_cast %add3A_334 : i32 to index
        %swap3A_343 = arith.constant 0 : index
        %swap3A_344 = tpu.vector_load %arg12[%swap3A_342, %swap3A_343] {strides = array<i32>} : memref<800x32xf32, #tpu.memory_space<vmem>>, vector<16xf32>,
        tpu.vector_store %arg12[%swap3A_342, %swap3A_343], %mul3A_341 {strides = array<i32>} : memref<800x32xf32, #tpu.memory_space<vmem>>, vector<16xf32>,
        %get3A_345 = arith.index_cast %add3A_334 : i32 to index
        %get3A_346 = arith.constant 16 : index
        %get3A_347 = tpu.vector_load %arg12[%get3A_345, %get3A_346] {strides = array<i32>} : memref<800x32xf32, #tpu.memory_space<vmem>>, vector<16xf32>,
        %mul3A_348 = vector.broadcast %squeeze3A_336 : f32 to vector<16xf32>
        %mul3A_349 = arith.mulf %get3A_347, %mul3A_348 : vector<16xf32>
        %swap3A_350 = arith.index_cast %add3A_334 : i32 to index
        %swap3A_351 = arith.constant 16 : index
        %swap3A_352 = tpu.vector_load %arg12[%swap3A_350, %swap3A_351] {strides = array<i32>} : memref<800x32xf32, #tpu.memory_space<vmem>>, vector<16xf32>,
        tpu.vector_store %arg12[%swap3A_350, %swap3A_351], %mul3A_349 {strides = array<i32>} : memref<800x32xf32, #tpu.memory_space<vmem>>, vector<16xf32>,
        %mul3A_353 = arith.constant 16 : i32
        %mul3A_354 = arith.muli %scan3A_66, %mul3A_353 : i32
        %add3A_355 = arith.constant 13 : i32
        %add3A_356 = arith.addi %mul3A_354, %add3A_355 : i32
        %slice3A_357 = vector.extract_strided_slice %get3A_69 {offsets = [13], sizes = [1], strides = [1]} : vector<16xf32> to vector<1xf32>
        %squeeze3A_358 = vector.extract %slice3A_357[0] : f32 from vector<1xf32>
        %get3A_359 = arith.index_cast %add3A_356 : i32 to index
        %get3A_360 = arith.constant 0 : index
        %get3A_361 = tpu.vector_load %arg12[%get3A_359, %get3A_360] {strides = array<i32>} : memref<800x32xf32, #tpu.memory_space<vmem>>, vector<16xf32>,
        %mul3A_362 = vector.broadcast %squeeze3A_358 : f32 to vector<16xf32>
        %mul3A_363 = arith.mulf %get3A_361, %mul3A_362 : vector<16xf32>
        %swap3A_364 = arith.index_cast %add3A_356 : i32 to index
        %swap3A_365 = arith.constant 0 : index
        %swap3A_366 = tpu.vector_load %arg12[%swap3A_364, %swap3A_365] {strides = array<i32>} : memref<800x32xf32, #tpu.memory_space<vmem>>, vector<16xf32>,
        tpu.vector_store %arg12[%swap3A_364, %swap3A_365], %mul3A_363 {strides = array<i32>} : memref<800x32xf32, #tpu.memory_space<vmem>>, vector<16xf32>,
        %get3A_367 = arith.index_cast %add3A_356 : i32 to index
        %get3A_368 = arith.constant 16 : index
        %get3A_369 = tpu.vector_load %arg12[%get3A_367, %get3A_368] {strides = array<i32>} : memref<800x32xf32, #tpu.memory_space<vmem>>, vector<16xf32>,
        %mul3A_370 = vector.broadcast %squeeze3A_358 : f32 to vector<16xf32>
        %mul3A_371 = arith.mulf %get3A_369, %mul3A_370 : vector<16xf32>
        %swap3A_372 = arith.index_cast %add3A_356 : i32 to index
        %swap3A_373 = arith.constant 16 : index
        %swap3A_374 = tpu.vector_load %arg12[%swap3A_372, %swap3A_373] {strides = array<i32>} : memref<800x32xf32, #tpu.memory_space<vmem>>, vector<16xf32>,
        tpu.vector_store %arg12[%swap3A_372, %swap3A_373], %mul3A_371 {strides = array<i32>} : memref<800x32xf32, #tpu.memory_space<vmem>>, vector<16xf32>,
        %mul3A_375 = arith.constant 16 : i32
        %mul3A_376 = arith.muli %scan3A_66, %mul3A_375 : i32
        %add3A_377 = arith.constant 14 : i32
        %add3A_378 = arith.addi %mul3A_376, %add3A_377 : i32
        %slice3A_379 = vector.extract_strided_slice %get3A_69 {offsets = [14], sizes = [1], strides = [1]} : vector<16xf32> to vector<1xf32>
        %squeeze3A_380 = vector.extract %slice3A_379[0] : f32 from vector<1xf32>
        %get3A_381 = arith.index_cast %add3A_378 : i32 to index
        %get3A_382 = arith.constant 0 : index
        %get3A_383 = tpu.vector_load %arg12[%get3A_381, %get3A_382] {strides = array<i32>} : memref<800x32xf32, #tpu.memory_space<vmem>>, vector<16xf32>,
        %mul3A_384 = vector.broadcast %squeeze3A_380 : f32 to vector<16xf32>
        %mul3A_385 = arith.mulf %get3A_383, %mul3A_384 : vector<16xf32>
        %swap3A_386 = arith.index_cast %add3A_378 : i32 to index
        %swap3A_387 = arith.constant 0 : index
        %swap3A_388 = tpu.vector_load %arg12[%swap3A_386, %swap3A_387] {strides = array<i32>} : memref<800x32xf32, #tpu.memory_space<vmem>>, vector<16xf32>,
        tpu.vector_store %arg12[%swap3A_386, %swap3A_387], %mul3A_385 {strides = array<i32>} : memref<800x32xf32, #tpu.memory_space<vmem>>, vector<16xf32>,
        %get3A_389 = arith.index_cast %add3A_378 : i32 to index
        %get3A_390 = arith.constant 16 : index
        %get3A_391 = tpu.vector_load %arg12[%get3A_389, %get3A_390] {strides = array<i32>} : memref<800x32xf32, #tpu.memory_space<vmem>>, vector<16xf32>,
        %mul3A_392 = vector.broadcast %squeeze3A_380 : f32 to vector<16xf32>
        %mul3A_393 = arith.mulf %get3A_391, %mul3A_392 : vector<16xf32>
        %swap3A_394 = arith.index_cast %add3A_378 : i32 to index
        %swap3A_395 = arith.constant 16 : index
        %swap3A_396 = tpu.vector_load %arg12[%swap3A_394, %swap3A_395] {strides = array<i32>} : memref<800x32xf32, #tpu.memory_space<vmem>>, vector<16xf32>,
        tpu.vector_store %arg12[%swap3A_394, %swap3A_395], %mul3A_393 {strides = array<i32>} : memref<800x32xf32, #tpu.memory_space<vmem>>, vector<16xf32>,
        %mul3A_397 = arith.constant 16 : i32
        %mul3A_398 = arith.muli %scan3A_66, %mul3A_397 : i32
        %add3A_399 = arith.constant 15 : i32
        %add3A_400 = arith.addi %mul3A_398, %add3A_399 : i32
        %slice3A_401 = vector.extract_strided_slice %get3A_69 {offsets = [15], sizes = [1], strides = [1]} : vector<16xf32> to vector<1xf32>
        %squeeze3A_402 = vector.extract %slice3A_401[0] : f32 from vector<1xf32>
        %get3A_403 = arith.index_cast %add3A_400 : i32 to index
        %get3A_404 = arith.constant 0 : index
        %get3A_405 = tpu.vector_load %arg12[%get3A_403, %get3A_404] {strides = array<i32>} : memref<800x32xf32, #tpu.memory_space<vmem>>, vector<16xf32>,
        %mul3A_406 = vector.broadcast %squeeze3A_402 : f32 to vector<16xf32>
        %mul3A_407 = arith.mulf %get3A_405, %mul3A_406 : vector<16xf32>
        %swap3A_408 = arith.index_cast %add3A_400 : i32 to index
        %swap3A_409 = arith.constant 0 : index
        %swap3A_410 = tpu.vector_load %arg12[%swap3A_408, %swap3A_409] {strides = array<i32>} : memref<800x32xf32, #tpu.memory_space<vmem>>, vector<16xf32>,
        tpu.vector_store %arg12[%swap3A_408, %swap3A_409], %mul3A_407 {strides = array<i32>} : memref<800x32xf32, #tpu.memory_space<vmem>>, vector<16xf32>,
        %get3A_411 = arith.index_cast %add3A_400 : i32 to index
        %get3A_412 = arith.constant 16 : index
        %get3A_413 = tpu.vector_load %arg12[%get3A_411, %get3A_412] {strides = array<i32>} : memref<800x32xf32, #tpu.memory_space<vmem>>, vector<16xf32>,
        %mul3A_414 = vector.broadcast %squeeze3A_402 : f32 to vector<16xf32>
        %mul3A_415 = arith.mulf %get3A_413, %mul3A_414 : vector<16xf32>
        %swap3A_416 = arith.index_cast %add3A_400 : i32 to index
        %swap3A_417 = arith.constant 16 : index
        %swap3A_418 = tpu.vector_load %arg12[%swap3A_416, %swap3A_417] {strides = array<i32>} : memref<800x32xf32, #tpu.memory_space<vmem>>, vector<16xf32>,
        tpu.vector_store %arg12[%swap3A_416, %swap3A_417], %mul3A_415 {strides = array<i32>} : memref<800x32xf32, #tpu.memory_space<vmem>>, vector<16xf32>,
      }
      %scan3A_48 = arith.constant 50 : i32
      "tpu.region"() ({
        %run_scoped3A = tpu.sem_alloc : memref<!tpu.dma_semaphore, #tpu.memory_space<semaphore_mem>>
        %dma_start3A_66 = arith.constant 0 : i32
        %dma_start3A_67 = arith.constant 0 : i32
        %dma_start3A_68 = tpu.memref_slice %arg8[%dma_start3A_66, %dma_start3A_67] : memref<16000x32xf32, #tpu.memory_space<vmem_shared>> -> memref<16000x32xf32, #tpu.memory_space<vmem_shared>>
        tpu.enqueue_indirect_dma source(%arg12 : memref<800x32xf32, #tpu.memory_space<vmem>>) target(%dma_start3A_68 : memref<16000x32xf32, #tpu.memory_space<vmem_shared>>) offsets(%arg10 : memref<800xi32, #tpu.memory_space<vmem>>) semaphore(%run_scoped3A : memref<!tpu.dma_semaphore, #tpu.memory_space<semaphore_mem>>) {add = true}
        %dma_wait3A_69 = arith.constant 0 : i32
        %dma_wait3A_70 = arith.constant 0 : i32
        %dma_wait3A_71 = tpu.memref_slice %arg8[%dma_wait3A_69, %dma_wait3A_70] : memref<16000x32xf32, #tpu.memory_space<vmem_shared>> -> memref<16000x32xf32, #tpu.memory_space<vmem_shared>>
        tpu.wait_indirect_dma semaphore(%run_scoped3A : memref<!tpu.dma_semaphore, #tpu.memory_space<semaphore_mem>>) src(%arg12 : memref<800x32xf32, #tpu.memory_space<vmem>>) dst(%dma_wait3A_71 : memref<16000x32xf32, #tpu.memory_space<vmem_shared>>)
        tpu.yield
      }) : () -> ()
      %add3A_49 = arith.constant 1 : i32
      %add3A_50 = arith.addi %scan3A_21, %add3A_49 : i32
      %lt3A = arith.constant 20 : i32
      %lt3A_51 = arith.cmpi slt, %add3A_50, %lt3A : i32
      %convert_element_type3A = arith.extui %lt3A_51 : i1 to i32
      %cond3A = arith.constant 0 : i32
      %cond3A_52 = arith.cmpi ne, %convert_element_type3A, %cond3A : i32
      scf.if %cond3A_52 {
        %mul3A_66 = arith.constant 32000 : i32
        %mul3A_67 = arith.muli %arg1, %mul3A_66 : i32
        %mul3A_68 = arith.constant 2 : i32
        %mul3A_69 = arith.muli %mul3A_68, %scan3A_21 : i32
        %add3A_70 = arith.constant 2 : i32
        %add3A_71 = arith.addi %mul3A_69, %add3A_70 : i32
        %mul3A_72 = arith.constant 800 : i32
        %mul3A_73 = arith.muli %add3A_71, %mul3A_72 : i32
        %add3A_74 = arith.addi %mul3A_67, %mul3A_73 : i32
        "tpu.region"() ({
          %run_scoped3A = tpu.sem_alloc : memref<!tpu.dma_semaphore, #tpu.memory_space<semaphore_mem>>
          %dma_start3A_82 = tpu.memref_slice %arg4[%add3A_74] : memref<512000xi32, #tpu.memory_space<hbm>> -> memref<800xi32, #tpu.memory_space<hbm>>
          %dma_start3A_83 = tpu.memref_slice %arg4[%add3A_74] : memref<512000xi32, #tpu.memory_space<hbm>> -> memref<800xi32, #tpu.memory_space<hbm>>
          tpu.enqueue_dma source(%dma_start3A_83 : memref<800xi32, #tpu.memory_space<hbm>>) target(%arg9 : memref<800xi32, #tpu.memory_space<vmem>>) target_semaphore(%run_scoped3A : memref<!tpu.dma_semaphore, #tpu.memory_space<semaphore_mem>>)
          %dma_wait3A_84 = tpu.memref_slice %arg4[%add3A_74] : memref<512000xi32, #tpu.memory_space<hbm>> -> memref<800xi32, #tpu.memory_space<hbm>>
          %dma_wait3A_85 = tpu.memref_slice %arg4[%add3A_74] : memref<512000xi32, #tpu.memory_space<hbm>> -> memref<800xi32, #tpu.memory_space<hbm>>
          tpu.wait_dma2 semaphore(%run_scoped3A : memref<!tpu.dma_semaphore, #tpu.memory_space<semaphore_mem>>) src(%dma_wait3A_85 : memref<800xi32, #tpu.memory_space<hbm>>) dst(%arg9 : memref<800xi32, #tpu.memory_space<vmem>>)
          tpu.yield
        }) : () -> ()
        "tpu.region"() ({
          %run_scoped3A = tpu.sem_alloc : memref<!tpu.dma_semaphore, #tpu.memory_space<semaphore_mem>>
          %dma_start3A_82 = tpu.memref_slice %arg5[%add3A_74] : memref<512000xi32, #tpu.memory_space<hbm>> -> memref<800xi32, #tpu.memory_space<hbm>>
          %dma_start3A_83 = tpu.memref_slice %arg5[%add3A_74] : memref<512000xi32, #tpu.memory_space<hbm>> -> memref<800xi32, #tpu.memory_space<hbm>>
          tpu.enqueue_dma source(%dma_start3A_83 : memref<800xi32, #tpu.memory_space<hbm>>) target(%arg10 : memref<800xi32, #tpu.memory_space<vmem>>) target_semaphore(%run_scoped3A : memref<!tpu.dma_semaphore, #tpu.memory_space<semaphore_mem>>)
          %dma_wait3A_84 = tpu.memref_slice %arg5[%add3A_74] : memref<512000xi32, #tpu.memory_space<hbm>> -> memref<800xi32, #tpu.memory_space<hbm>>
          %dma_wait3A_85 = tpu.memref_slice %arg5[%add3A_74] : memref<512000xi32, #tpu.memory_space<hbm>> -> memref<800xi32, #tpu.memory_space<hbm>>
          tpu.wait_dma2 semaphore(%run_scoped3A : memref<!tpu.dma_semaphore, #tpu.memory_space<semaphore_mem>>) src(%dma_wait3A_85 : memref<800xi32, #tpu.memory_space<hbm>>) dst(%arg10 : memref<800xi32, #tpu.memory_space<vmem>>)
          tpu.yield
        }) : () -> ()
        "tpu.region"() ({
          %run_scoped3A = tpu.sem_alloc : memref<!tpu.dma_semaphore, #tpu.memory_space<semaphore_mem>>
          %dma_start3A_82 = tpu.memref_slice %arg6[%add3A_74] : memref<512000xf32, #tpu.memory_space<hbm>> -> memref<800xf32, #tpu.memory_space<hbm>>
          %dma_start3A_83 = tpu.memref_slice %arg6[%add3A_74] : memref<512000xf32, #tpu.memory_space<hbm>> -> memref<800xf32, #tpu.memory_space<hbm>>
          tpu.enqueue_dma source(%dma_start3A_83 : memref<800xf32, #tpu.memory_space<hbm>>) target(%arg11 : memref<800xf32, #tpu.memory_space<vmem>>) target_semaphore(%run_scoped3A : memref<!tpu.dma_semaphore, #tpu.memory_space<semaphore_mem>>)
          %dma_wait3A_84 = tpu.memref_slice %arg6[%add3A_74] : memref<512000xf32, #tpu.memory_space<hbm>> -> memref<800xf32, #tpu.memory_space<hbm>>
          %dma_wait3A_85 = tpu.memref_slice %arg6[%add3A_74] : memref<512000xf32, #tpu.memory_space<hbm>> -> memref<800xf32, #tpu.memory_space<hbm>>
          tpu.wait_dma2 semaphore(%run_scoped3A : memref<!tpu.dma_semaphore, #tpu.memory_space<semaphore_mem>>) src(%dma_wait3A_85 : memref<800xf32, #tpu.memory_space<hbm>>) dst(%arg11 : memref<800xf32, #tpu.memory_space<vmem>>)
          tpu.yield
        }) : () -> ()
        %dma_start3A_75 = arith.constant 0 : i32
        %dma_start3A_76 = arith.constant 0 : i32
        %dma_start3A_77 = tpu.memref_slice %arg2[%arg0, %dma_start3A_75, %dma_start3A_76] : memref<2x16000x32xf32, #tpu.memory_space<hbm>> -> memref<1x16000x32xf32, #tpu.memory_space<hbm>>
        %dma_start3A_78 = tpu.memref_squeeze %dma_start3A_77 : memref<1x16000x32xf32, #tpu.memory_space<hbm>> -> memref<16000x32xf32, #tpu.memory_space<hbm>>
        %dma_start3A_79 = arith.constant 0 : i32
        %dma_start3A_80 = arith.constant 0 : i32
        %dma_start3A_81 = tpu.memref_slice %dma_start3A_78[%dma_start3A_79, %dma_start3A_80] : memref<16000x32xf32, #tpu.memory_space<hbm>> -> memref<16000x32xf32, #tpu.memory_space<hbm>>
        tpu.enqueue_indirect_dma source(%dma_start3A_81 : memref<16000x32xf32, #tpu.memory_space<hbm>>) target(%arg12 : memref<800x32xf32, #tpu.memory_space<vmem>>) offsets(%arg9 : memref<800xi32, #tpu.memory_space<vmem>>) semaphore(%arg17 : memref<!tpu.dma_semaphore, #tpu.memory_space<semaphore_mem>>)
      } else {
      }
      %dma_wait3A_53 = arith.constant 0 : i32
      %dma_wait3A_54 = arith.constant 0 : i32
      %dma_wait3A_55 = tpu.memref_slice %arg2[%arg0, %dma_wait3A_53, %dma_wait3A_54] : memref<2x16000x32xf32, #tpu.memory_space<hbm>> -> memref<1x16000x32xf32, #tpu.memory_space<hbm>>
      %dma_wait3A_56 = tpu.memref_squeeze %dma_wait3A_55 : memref<1x16000x32xf32, #tpu.memory_space<hbm>> -> memref<16000x32xf32, #tpu.memory_space<hbm>>
      %dma_wait3A_57 = arith.constant 0 : i32
      %dma_wait3A_58 = arith.constant 0 : i32
      %dma_wait3A_59 = tpu.memref_slice %dma_wait3A_56[%dma_wait3A_57, %dma_wait3A_58] : memref<16000x32xf32, #tpu.memory_space<hbm>> -> memref<16000x32xf32, #tpu.memory_space<hbm>>
      tpu.wait_indirect_dma semaphore(%arg18 : memref<!tpu.dma_semaphore, #tpu.memory_space<semaphore_mem>>) src(%dma_wait3A_59 : memref<16000x32xf32, #tpu.memory_space<hbm>>) dst(%arg16 : memref<800x32xf32, #tpu.memory_space<vmem>>)
      %scan3A_60 = arith.constant 0 : i32
      %scan3A_61 = arith.constant 0 : i32
      %scan3A_62 = arith.constant 50 : i32
      %scan3A_63 = arith.addi %scan3A_61, %scan3A_62 : i32
      %scan3A_64 = arith.constant 1 : i32
      scf.for %scan3A_66 = %scan3A_61 to %scan3A_63 step %scan3A_64  : i32 {
        %mul3A_67 = arith.constant 16 : i32
        %mul3A_68 = arith.muli %scan3A_66, %mul3A_67 : i32
        %get3A = arith.index_cast %mul3A_68 : i32 to index
        %get3A_69 = tpu.vector_load %arg15[%get3A] {strides = array<i32>} : memref<800xf32, #tpu.memory_space<vmem>>, vector<16xf32>,
        %mul3A_70 = arith.constant 16 : i32
        %mul3A_71 = arith.muli %scan3A_66, %mul3A_70 : i32
        %add3A_72 = arith.constant 0 : i32
        %add3A_73 = arith.addi %mul3A_71, %add3A_72 : i32
        %slice3A = vector.extract_strided_slice %get3A_69 {offsets = [0], sizes = [1], strides = [1]} : vector<16xf32> to vector<1xf32>
        %squeeze3A = vector.extract %slice3A[0] : f32 from vector<1xf32>
        %get3A_74 = arith.index_cast %add3A_73 : i32 to index
        %get3A_75 = arith.constant 0 : index
        %get3A_76 = tpu.vector_load %arg16[%get3A_74, %get3A_75] {strides = array<i32>} : memref<800x32xf32, #tpu.memory_space<vmem>>, vector<16xf32>,
        %mul3A_77 = vector.broadcast %squeeze3A : f32 to vector<16xf32>
        %mul3A_78 = arith.mulf %get3A_76, %mul3A_77 : vector<16xf32>
        %swap3A = arith.index_cast %add3A_73 : i32 to index
        %swap3A_79 = arith.constant 0 : index
        %swap3A_80 = tpu.vector_load %arg16[%swap3A, %swap3A_79] {strides = array<i32>} : memref<800x32xf32, #tpu.memory_space<vmem>>, vector<16xf32>,
        tpu.vector_store %arg16[%swap3A, %swap3A_79], %mul3A_78 {strides = array<i32>} : memref<800x32xf32, #tpu.memory_space<vmem>>, vector<16xf32>,
        %get3A_81 = arith.index_cast %add3A_73 : i32 to index
        %get3A_82 = arith.constant 16 : index
        %get3A_83 = tpu.vector_load %arg16[%get3A_81, %get3A_82] {strides = array<i32>} : memref<800x32xf32, #tpu.memory_space<vmem>>, vector<16xf32>,
        %mul3A_84 = vector.broadcast %squeeze3A : f32 to vector<16xf32>
        %mul3A_85 = arith.mulf %get3A_83, %mul3A_84 : vector<16xf32>
        %swap3A_86 = arith.index_cast %add3A_73 : i32 to index
        %swap3A_87 = arith.constant 16 : index
        %swap3A_88 = tpu.vector_load %arg16[%swap3A_86, %swap3A_87] {strides = array<i32>} : memref<800x32xf32, #tpu.memory_space<vmem>>, vector<16xf32>,
        tpu.vector_store %arg16[%swap3A_86, %swap3A_87], %mul3A_85 {strides = array<i32>} : memref<800x32xf32, #tpu.memory_space<vmem>>, vector<16xf32>,
        %mul3A_89 = arith.constant 16 : i32
        %mul3A_90 = arith.muli %scan3A_66, %mul3A_89 : i32
        %add3A_91 = arith.constant 1 : i32
        %add3A_92 = arith.addi %mul3A_90, %add3A_91 : i32
        %slice3A_93 = vector.extract_strided_slice %get3A_69 {offsets = [1], sizes = [1], strides = [1]} : vector<16xf32> to vector<1xf32>
        %squeeze3A_94 = vector.extract %slice3A_93[0] : f32 from vector<1xf32>
        %get3A_95 = arith.index_cast %add3A_92 : i32 to index
        %get3A_96 = arith.constant 0 : index
        %get3A_97 = tpu.vector_load %arg16[%get3A_95, %get3A_96] {strides = array<i32>} : memref<800x32xf32, #tpu.memory_space<vmem>>, vector<16xf32>,
        %mul3A_98 = vector.broadcast %squeeze3A_94 : f32 to vector<16xf32>
        %mul3A_99 = arith.mulf %get3A_97, %mul3A_98 : vector<16xf32>
        %swap3A_100 = arith.index_cast %add3A_92 : i32 to index
        %swap3A_101 = arith.constant 0 : index
        %swap3A_102 = tpu.vector_load %arg16[%swap3A_100, %swap3A_101] {strides = array<i32>} : memref<800x32xf32, #tpu.memory_space<vmem>>, vector<16xf32>,
        tpu.vector_store %arg16[%swap3A_100, %swap3A_101], %mul3A_99 {strides = array<i32>} : memref<800x32xf32, #tpu.memory_space<vmem>>, vector<16xf32>,
        %get3A_103 = arith.index_cast %add3A_92 : i32 to index
        %get3A_104 = arith.constant 16 : index
        %get3A_105 = tpu.vector_load %arg16[%get3A_103, %get3A_104] {strides = array<i32>} : memref<800x32xf32, #tpu.memory_space<vmem>>, vector<16xf32>,
        %mul3A_106 = vector.broadcast %squeeze3A_94 : f32 to vector<16xf32>
        %mul3A_107 = arith.mulf %get3A_105, %mul3A_106 : vector<16xf32>
        %swap3A_108 = arith.index_cast %add3A_92 : i32 to index
        %swap3A_109 = arith.constant 16 : index
        %swap3A_110 = tpu.vector_load %arg16[%swap3A_108, %swap3A_109] {strides = array<i32>} : memref<800x32xf32, #tpu.memory_space<vmem>>, vector<16xf32>,
        tpu.vector_store %arg16[%swap3A_108, %swap3A_109], %mul3A_107 {strides = array<i32>} : memref<800x32xf32, #tpu.memory_space<vmem>>, vector<16xf32>,
        %mul3A_111 = arith.constant 16 : i32
        %mul3A_112 = arith.muli %scan3A_66, %mul3A_111 : i32
        %add3A_113 = arith.constant 2 : i32
        %add3A_114 = arith.addi %mul3A_112, %add3A_113 : i32
        %slice3A_115 = vector.extract_strided_slice %get3A_69 {offsets = [2], sizes = [1], strides = [1]} : vector<16xf32> to vector<1xf32>
        %squeeze3A_116 = vector.extract %slice3A_115[0] : f32 from vector<1xf32>
        %get3A_117 = arith.index_cast %add3A_114 : i32 to index
        %get3A_118 = arith.constant 0 : index
        %get3A_119 = tpu.vector_load %arg16[%get3A_117, %get3A_118] {strides = array<i32>} : memref<800x32xf32, #tpu.memory_space<vmem>>, vector<16xf32>,
        %mul3A_120 = vector.broadcast %squeeze3A_116 : f32 to vector<16xf32>
        %mul3A_121 = arith.mulf %get3A_119, %mul3A_120 : vector<16xf32>
        %swap3A_122 = arith.index_cast %add3A_114 : i32 to index
        %swap3A_123 = arith.constant 0 : index
        %swap3A_124 = tpu.vector_load %arg16[%swap3A_122, %swap3A_123] {strides = array<i32>} : memref<800x32xf32, #tpu.memory_space<vmem>>, vector<16xf32>,
        tpu.vector_store %arg16[%swap3A_122, %swap3A_123], %mul3A_121 {strides = array<i32>} : memref<800x32xf32, #tpu.memory_space<vmem>>, vector<16xf32>,
        %get3A_125 = arith.index_cast %add3A_114 : i32 to index
        %get3A_126 = arith.constant 16 : index
        %get3A_127 = tpu.vector_load %arg16[%get3A_125, %get3A_126] {strides = array<i32>} : memref<800x32xf32, #tpu.memory_space<vmem>>, vector<16xf32>,
        %mul3A_128 = vector.broadcast %squeeze3A_116 : f32 to vector<16xf32>
        %mul3A_129 = arith.mulf %get3A_127, %mul3A_128 : vector<16xf32>
        %swap3A_130 = arith.index_cast %add3A_114 : i32 to index
        %swap3A_131 = arith.constant 16 : index
        %swap3A_132 = tpu.vector_load %arg16[%swap3A_130, %swap3A_131] {strides = array<i32>} : memref<800x32xf32, #tpu.memory_space<vmem>>, vector<16xf32>,
        tpu.vector_store %arg16[%swap3A_130, %swap3A_131], %mul3A_129 {strides = array<i32>} : memref<800x32xf32, #tpu.memory_space<vmem>>, vector<16xf32>,
        %mul3A_133 = arith.constant 16 : i32
        %mul3A_134 = arith.muli %scan3A_66, %mul3A_133 : i32
        %add3A_135 = arith.constant 3 : i32
        %add3A_136 = arith.addi %mul3A_134, %add3A_135 : i32
        %slice3A_137 = vector.extract_strided_slice %get3A_69 {offsets = [3], sizes = [1], strides = [1]} : vector<16xf32> to vector<1xf32>
        %squeeze3A_138 = vector.extract %slice3A_137[0] : f32 from vector<1xf32>
        %get3A_139 = arith.index_cast %add3A_136 : i32 to index
        %get3A_140 = arith.constant 0 : index
        %get3A_141 = tpu.vector_load %arg16[%get3A_139, %get3A_140] {strides = array<i32>} : memref<800x32xf32, #tpu.memory_space<vmem>>, vector<16xf32>,
        %mul3A_142 = vector.broadcast %squeeze3A_138 : f32 to vector<16xf32>
        %mul3A_143 = arith.mulf %get3A_141, %mul3A_142 : vector<16xf32>
        %swap3A_144 = arith.index_cast %add3A_136 : i32 to index
        %swap3A_145 = arith.constant 0 : index
        %swap3A_146 = tpu.vector_load %arg16[%swap3A_144, %swap3A_145] {strides = array<i32>} : memref<800x32xf32, #tpu.memory_space<vmem>>, vector<16xf32>,
        tpu.vector_store %arg16[%swap3A_144, %swap3A_145], %mul3A_143 {strides = array<i32>} : memref<800x32xf32, #tpu.memory_space<vmem>>, vector<16xf32>,
        %get3A_147 = arith.index_cast %add3A_136 : i32 to index
        %get3A_148 = arith.constant 16 : index
        %get3A_149 = tpu.vector_load %arg16[%get3A_147, %get3A_148] {strides = array<i32>} : memref<800x32xf32, #tpu.memory_space<vmem>>, vector<16xf32>,
        %mul3A_150 = vector.broadcast %squeeze3A_138 : f32 to vector<16xf32>
        %mul3A_151 = arith.mulf %get3A_149, %mul3A_150 : vector<16xf32>
        %swap3A_152 = arith.index_cast %add3A_136 : i32 to index
        %swap3A_153 = arith.constant 16 : index
        %swap3A_154 = tpu.vector_load %arg16[%swap3A_152, %swap3A_153] {strides = array<i32>} : memref<800x32xf32, #tpu.memory_space<vmem>>, vector<16xf32>,
        tpu.vector_store %arg16[%swap3A_152, %swap3A_153], %mul3A_151 {strides = array<i32>} : memref<800x32xf32, #tpu.memory_space<vmem>>, vector<16xf32>,
        %mul3A_155 = arith.constant 16 : i32
        %mul3A_156 = arith.muli %scan3A_66, %mul3A_155 : i32
        %add3A_157 = arith.constant 4 : i32
        %add3A_158 = arith.addi %mul3A_156, %add3A_157 : i32
        %slice3A_159 = vector.extract_strided_slice %get3A_69 {offsets = [4], sizes = [1], strides = [1]} : vector<16xf32> to vector<1xf32>
        %squeeze3A_160 = vector.extract %slice3A_159[0] : f32 from vector<1xf32>
        %get3A_161 = arith.index_cast %add3A_158 : i32 to index
        %get3A_162 = arith.constant 0 : index
        %get3A_163 = tpu.vector_load %arg16[%get3A_161, %get3A_162] {strides = array<i32>} : memref<800x32xf32, #tpu.memory_space<vmem>>, vector<16xf32>,
        %mul3A_164 = vector.broadcast %squeeze3A_160 : f32 to vector<16xf32>
        %mul3A_165 = arith.mulf %get3A_163, %mul3A_164 : vector<16xf32>
        %swap3A_166 = arith.index_cast %add3A_158 : i32 to index
        %swap3A_167 = arith.constant 0 : index
        %swap3A_168 = tpu.vector_load %arg16[%swap3A_166, %swap3A_167] {strides = array<i32>} : memref<800x32xf32, #tpu.memory_space<vmem>>, vector<16xf32>,
        tpu.vector_store %arg16[%swap3A_166, %swap3A_167], %mul3A_165 {strides = array<i32>} : memref<800x32xf32, #tpu.memory_space<vmem>>, vector<16xf32>,
        %get3A_169 = arith.index_cast %add3A_158 : i32 to index
        %get3A_170 = arith.constant 16 : index
        %get3A_171 = tpu.vector_load %arg16[%get3A_169, %get3A_170] {strides = array<i32>} : memref<800x32xf32, #tpu.memory_space<vmem>>, vector<16xf32>,
        %mul3A_172 = vector.broadcast %squeeze3A_160 : f32 to vector<16xf32>
        %mul3A_173 = arith.mulf %get3A_171, %mul3A_172 : vector<16xf32>
        %swap3A_174 = arith.index_cast %add3A_158 : i32 to index
        %swap3A_175 = arith.constant 16 : index
        %swap3A_176 = tpu.vector_load %arg16[%swap3A_174, %swap3A_175] {strides = array<i32>} : memref<800x32xf32, #tpu.memory_space<vmem>>, vector<16xf32>,
        tpu.vector_store %arg16[%swap3A_174, %swap3A_175], %mul3A_173 {strides = array<i32>} : memref<800x32xf32, #tpu.memory_space<vmem>>, vector<16xf32>,
        %mul3A_177 = arith.constant 16 : i32
        %mul3A_178 = arith.muli %scan3A_66, %mul3A_177 : i32
        %add3A_179 = arith.constant 5 : i32
        %add3A_180 = arith.addi %mul3A_178, %add3A_179 : i32
        %slice3A_181 = vector.extract_strided_slice %get3A_69 {offsets = [5], sizes = [1], strides = [1]} : vector<16xf32> to vector<1xf32>
        %squeeze3A_182 = vector.extract %slice3A_181[0] : f32 from vector<1xf32>
        %get3A_183 = arith.index_cast %add3A_180 : i32 to index
        %get3A_184 = arith.constant 0 : index
        %get3A_185 = tpu.vector_load %arg16[%get3A_183, %get3A_184] {strides = array<i32>} : memref<800x32xf32, #tpu.memory_space<vmem>>, vector<16xf32>,
        %mul3A_186 = vector.broadcast %squeeze3A_182 : f32 to vector<16xf32>
        %mul3A_187 = arith.mulf %get3A_185, %mul3A_186 : vector<16xf32>
        %swap3A_188 = arith.index_cast %add3A_180 : i32 to index
        %swap3A_189 = arith.constant 0 : index
        %swap3A_190 = tpu.vector_load %arg16[%swap3A_188, %swap3A_189] {strides = array<i32>} : memref<800x32xf32, #tpu.memory_space<vmem>>, vector<16xf32>,
        tpu.vector_store %arg16[%swap3A_188, %swap3A_189], %mul3A_187 {strides = array<i32>} : memref<800x32xf32, #tpu.memory_space<vmem>>, vector<16xf32>,
        %get3A_191 = arith.index_cast %add3A_180 : i32 to index
        %get3A_192 = arith.constant 16 : index
        %get3A_193 = tpu.vector_load %arg16[%get3A_191, %get3A_192] {strides = array<i32>} : memref<800x32xf32, #tpu.memory_space<vmem>>, vector<16xf32>,
        %mul3A_194 = vector.broadcast %squeeze3A_182 : f32 to vector<16xf32>
        %mul3A_195 = arith.mulf %get3A_193, %mul3A_194 : vector<16xf32>
        %swap3A_196 = arith.index_cast %add3A_180 : i32 to index
        %swap3A_197 = arith.constant 16 : index
        %swap3A_198 = tpu.vector_load %arg16[%swap3A_196, %swap3A_197] {strides = array<i32>} : memref<800x32xf32, #tpu.memory_space<vmem>>, vector<16xf32>,
        tpu.vector_store %arg16[%swap3A_196, %swap3A_197], %mul3A_195 {strides = array<i32>} : memref<800x32xf32, #tpu.memory_space<vmem>>, vector<16xf32>,
        %mul3A_199 = arith.constant 16 : i32
        %mul3A_200 = arith.muli %scan3A_66, %mul3A_199 : i32
        %add3A_201 = arith.constant 6 : i32
        %add3A_202 = arith.addi %mul3A_200, %add3A_201 : i32
        %slice3A_203 = vector.extract_strided_slice %get3A_69 {offsets = [6], sizes = [1], strides = [1]} : vector<16xf32> to vector<1xf32>
        %squeeze3A_204 = vector.extract %slice3A_203[0] : f32 from vector<1xf32>
        %get3A_205 = arith.index_cast %add3A_202 : i32 to index
        %get3A_206 = arith.constant 0 : index
        %get3A_207 = tpu.vector_load %arg16[%get3A_205, %get3A_206] {strides = array<i32>} : memref<800x32xf32, #tpu.memory_space<vmem>>, vector<16xf32>,
        %mul3A_208 = vector.broadcast %squeeze3A_204 : f32 to vector<16xf32>
        %mul3A_209 = arith.mulf %get3A_207, %mul3A_208 : vector<16xf32>
        %swap3A_210 = arith.index_cast %add3A_202 : i32 to index
        %swap3A_211 = arith.constant 0 : index
        %swap3A_212 = tpu.vector_load %arg16[%swap3A_210, %swap3A_211] {strides = array<i32>} : memref<800x32xf32, #tpu.memory_space<vmem>>, vector<16xf32>,
        tpu.vector_store %arg16[%swap3A_210, %swap3A_211], %mul3A_209 {strides = array<i32>} : memref<800x32xf32, #tpu.memory_space<vmem>>, vector<16xf32>,
        %get3A_213 = arith.index_cast %add3A_202 : i32 to index
        %get3A_214 = arith.constant 16 : index
        %get3A_215 = tpu.vector_load %arg16[%get3A_213, %get3A_214] {strides = array<i32>} : memref<800x32xf32, #tpu.memory_space<vmem>>, vector<16xf32>,
        %mul3A_216 = vector.broadcast %squeeze3A_204 : f32 to vector<16xf32>
        %mul3A_217 = arith.mulf %get3A_215, %mul3A_216 : vector<16xf32>
        %swap3A_218 = arith.index_cast %add3A_202 : i32 to index
        %swap3A_219 = arith.constant 16 : index
        %swap3A_220 = tpu.vector_load %arg16[%swap3A_218, %swap3A_219] {strides = array<i32>} : memref<800x32xf32, #tpu.memory_space<vmem>>, vector<16xf32>,
        tpu.vector_store %arg16[%swap3A_218, %swap3A_219], %mul3A_217 {strides = array<i32>} : memref<800x32xf32, #tpu.memory_space<vmem>>, vector<16xf32>,
        %mul3A_221 = arith.constant 16 : i32
        %mul3A_222 = arith.muli %scan3A_66, %mul3A_221 : i32
        %add3A_223 = arith.constant 7 : i32
        %add3A_224 = arith.addi %mul3A_222, %add3A_223 : i32
        %slice3A_225 = vector.extract_strided_slice %get3A_69 {offsets = [7], sizes = [1], strides = [1]} : vector<16xf32> to vector<1xf32>
        %squeeze3A_226 = vector.extract %slice3A_225[0] : f32 from vector<1xf32>
        %get3A_227 = arith.index_cast %add3A_224 : i32 to index
        %get3A_228 = arith.constant 0 : index
        %get3A_229 = tpu.vector_load %arg16[%get3A_227, %get3A_228] {strides = array<i32>} : memref<800x32xf32, #tpu.memory_space<vmem>>, vector<16xf32>,
        %mul3A_230 = vector.broadcast %squeeze3A_226 : f32 to vector<16xf32>
        %mul3A_231 = arith.mulf %get3A_229, %mul3A_230 : vector<16xf32>
        %swap3A_232 = arith.index_cast %add3A_224 : i32 to index
        %swap3A_233 = arith.constant 0 : index
        %swap3A_234 = tpu.vector_load %arg16[%swap3A_232, %swap3A_233] {strides = array<i32>} : memref<800x32xf32, #tpu.memory_space<vmem>>, vector<16xf32>,
        tpu.vector_store %arg16[%swap3A_232, %swap3A_233], %mul3A_231 {strides = array<i32>} : memref<800x32xf32, #tpu.memory_space<vmem>>, vector<16xf32>,
        %get3A_235 = arith.index_cast %add3A_224 : i32 to index
        %get3A_236 = arith.constant 16 : index
        %get3A_237 = tpu.vector_load %arg16[%get3A_235, %get3A_236] {strides = array<i32>} : memref<800x32xf32, #tpu.memory_space<vmem>>, vector<16xf32>,
        %mul3A_238 = vector.broadcast %squeeze3A_226 : f32 to vector<16xf32>
        %mul3A_239 = arith.mulf %get3A_237, %mul3A_238 : vector<16xf32>
        %swap3A_240 = arith.index_cast %add3A_224 : i32 to index
        %swap3A_241 = arith.constant 16 : index
        %swap3A_242 = tpu.vector_load %arg16[%swap3A_240, %swap3A_241] {strides = array<i32>} : memref<800x32xf32, #tpu.memory_space<vmem>>, vector<16xf32>,
        tpu.vector_store %arg16[%swap3A_240, %swap3A_241], %mul3A_239 {strides = array<i32>} : memref<800x32xf32, #tpu.memory_space<vmem>>, vector<16xf32>,
        %mul3A_243 = arith.constant 16 : i32
        %mul3A_244 = arith.muli %scan3A_66, %mul3A_243 : i32
        %add3A_245 = arith.constant 8 : i32
        %add3A_246 = arith.addi %mul3A_244, %add3A_245 : i32
        %slice3A_247 = vector.extract_strided_slice %get3A_69 {offsets = [8], sizes = [1], strides = [1]} : vector<16xf32> to vector<1xf32>
        %squeeze3A_248 = vector.extract %slice3A_247[0] : f32 from vector<1xf32>
        %get3A_249 = arith.index_cast %add3A_246 : i32 to index
        %get3A_250 = arith.constant 0 : index
        %get3A_251 = tpu.vector_load %arg16[%get3A_249, %get3A_250] {strides = array<i32>} : memref<800x32xf32, #tpu.memory_space<vmem>>, vector<16xf32>,
        %mul3A_252 = vector.broadcast %squeeze3A_248 : f32 to vector<16xf32>
        %mul3A_253 = arith.mulf %get3A_251, %mul3A_252 : vector<16xf32>
        %swap3A_254 = arith.index_cast %add3A_246 : i32 to index
        %swap3A_255 = arith.constant 0 : index
        %swap3A_256 = tpu.vector_load %arg16[%swap3A_254, %swap3A_255] {strides = array<i32>} : memref<800x32xf32, #tpu.memory_space<vmem>>, vector<16xf32>,
        tpu.vector_store %arg16[%swap3A_254, %swap3A_255], %mul3A_253 {strides = array<i32>} : memref<800x32xf32, #tpu.memory_space<vmem>>, vector<16xf32>,
        %get3A_257 = arith.index_cast %add3A_246 : i32 to index
        %get3A_258 = arith.constant 16 : index
        %get3A_259 = tpu.vector_load %arg16[%get3A_257, %get3A_258] {strides = array<i32>} : memref<800x32xf32, #tpu.memory_space<vmem>>, vector<16xf32>,
        %mul3A_260 = vector.broadcast %squeeze3A_248 : f32 to vector<16xf32>
        %mul3A_261 = arith.mulf %get3A_259, %mul3A_260 : vector<16xf32>
        %swap3A_262 = arith.index_cast %add3A_246 : i32 to index
        %swap3A_263 = arith.constant 16 : index
        %swap3A_264 = tpu.vector_load %arg16[%swap3A_262, %swap3A_263] {strides = array<i32>} : memref<800x32xf32, #tpu.memory_space<vmem>>, vector<16xf32>,
        tpu.vector_store %arg16[%swap3A_262, %swap3A_263], %mul3A_261 {strides = array<i32>} : memref<800x32xf32, #tpu.memory_space<vmem>>, vector<16xf32>,
        %mul3A_265 = arith.constant 16 : i32
        %mul3A_266 = arith.muli %scan3A_66, %mul3A_265 : i32
        %add3A_267 = arith.constant 9 : i32
        %add3A_268 = arith.addi %mul3A_266, %add3A_267 : i32
        %slice3A_269 = vector.extract_strided_slice %get3A_69 {offsets = [9], sizes = [1], strides = [1]} : vector<16xf32> to vector<1xf32>
        %squeeze3A_270 = vector.extract %slice3A_269[0] : f32 from vector<1xf32>
        %get3A_271 = arith.index_cast %add3A_268 : i32 to index
        %get3A_272 = arith.constant 0 : index
        %get3A_273 = tpu.vector_load %arg16[%get3A_271, %get3A_272] {strides = array<i32>} : memref<800x32xf32, #tpu.memory_space<vmem>>, vector<16xf32>,
        %mul3A_274 = vector.broadcast %squeeze3A_270 : f32 to vector<16xf32>
        %mul3A_275 = arith.mulf %get3A_273, %mul3A_274 : vector<16xf32>
        %swap3A_276 = arith.index_cast %add3A_268 : i32 to index
        %swap3A_277 = arith.constant 0 : index
        %swap3A_278 = tpu.vector_load %arg16[%swap3A_276, %swap3A_277] {strides = array<i32>} : memref<800x32xf32, #tpu.memory_space<vmem>>, vector<16xf32>,
        tpu.vector_store %arg16[%swap3A_276, %swap3A_277], %mul3A_275 {strides = array<i32>} : memref<800x32xf32, #tpu.memory_space<vmem>>, vector<16xf32>,
        %get3A_279 = arith.index_cast %add3A_268 : i32 to index
        %get3A_280 = arith.constant 16 : index
        %get3A_281 = tpu.vector_load %arg16[%get3A_279, %get3A_280] {strides = array<i32>} : memref<800x32xf32, #tpu.memory_space<vmem>>, vector<16xf32>,
        %mul3A_282 = vector.broadcast %squeeze3A_270 : f32 to vector<16xf32>
        %mul3A_283 = arith.mulf %get3A_281, %mul3A_282 : vector<16xf32>
        %swap3A_284 = arith.index_cast %add3A_268 : i32 to index
        %swap3A_285 = arith.constant 16 : index
        %swap3A_286 = tpu.vector_load %arg16[%swap3A_284, %swap3A_285] {strides = array<i32>} : memref<800x32xf32, #tpu.memory_space<vmem>>, vector<16xf32>,
        tpu.vector_store %arg16[%swap3A_284, %swap3A_285], %mul3A_283 {strides = array<i32>} : memref<800x32xf32, #tpu.memory_space<vmem>>, vector<16xf32>,
        %mul3A_287 = arith.constant 16 : i32
        %mul3A_288 = arith.muli %scan3A_66, %mul3A_287 : i32
        %add3A_289 = arith.constant 10 : i32
        %add3A_290 = arith.addi %mul3A_288, %add3A_289 : i32
        %slice3A_291 = vector.extract_strided_slice %get3A_69 {offsets = [10], sizes = [1], strides = [1]} : vector<16xf32> to vector<1xf32>
        %squeeze3A_292 = vector.extract %slice3A_291[0] : f32 from vector<1xf32>
        %get3A_293 = arith.index_cast %add3A_290 : i32 to index
        %get3A_294 = arith.constant 0 : index
        %get3A_295 = tpu.vector_load %arg16[%get3A_293, %get3A_294] {strides = array<i32>} : memref<800x32xf32, #tpu.memory_space<vmem>>, vector<16xf32>,
        %mul3A_296 = vector.broadcast %squeeze3A_292 : f32 to vector<16xf32>
        %mul3A_297 = arith.mulf %get3A_295, %mul3A_296 : vector<16xf32>
        %swap3A_298 = arith.index_cast %add3A_290 : i32 to index
        %swap3A_299 = arith.constant 0 : index
        %swap3A_300 = tpu.vector_load %arg16[%swap3A_298, %swap3A_299] {strides = array<i32>} : memref<800x32xf32, #tpu.memory_space<vmem>>, vector<16xf32>,
        tpu.vector_store %arg16[%swap3A_298, %swap3A_299], %mul3A_297 {strides = array<i32>} : memref<800x32xf32, #tpu.memory_space<vmem>>, vector<16xf32>,
        %get3A_301 = arith.index_cast %add3A_290 : i32 to index
        %get3A_302 = arith.constant 16 : index
        %get3A_303 = tpu.vector_load %arg16[%get3A_301, %get3A_302] {strides = array<i32>} : memref<800x32xf32, #tpu.memory_space<vmem>>, vector<16xf32>,
        %mul3A_304 = vector.broadcast %squeeze3A_292 : f32 to vector<16xf32>
        %mul3A_305 = arith.mulf %get3A_303, %mul3A_304 : vector<16xf32>
        %swap3A_306 = arith.index_cast %add3A_290 : i32 to index
        %swap3A_307 = arith.constant 16 : index
        %swap3A_308 = tpu.vector_load %arg16[%swap3A_306, %swap3A_307] {strides = array<i32>} : memref<800x32xf32, #tpu.memory_space<vmem>>, vector<16xf32>,
        tpu.vector_store %arg16[%swap3A_306, %swap3A_307], %mul3A_305 {strides = array<i32>} : memref<800x32xf32, #tpu.memory_space<vmem>>, vector<16xf32>,
        %mul3A_309 = arith.constant 16 : i32
        %mul3A_310 = arith.muli %scan3A_66, %mul3A_309 : i32
        %add3A_311 = arith.constant 11 : i32
        %add3A_312 = arith.addi %mul3A_310, %add3A_311 : i32
        %slice3A_313 = vector.extract_strided_slice %get3A_69 {offsets = [11], sizes = [1], strides = [1]} : vector<16xf32> to vector<1xf32>
        %squeeze3A_314 = vector.extract %slice3A_313[0] : f32 from vector<1xf32>
        %get3A_315 = arith.index_cast %add3A_312 : i32 to index
        %get3A_316 = arith.constant 0 : index
        %get3A_317 = tpu.vector_load %arg16[%get3A_315, %get3A_316] {strides = array<i32>} : memref<800x32xf32, #tpu.memory_space<vmem>>, vector<16xf32>,
        %mul3A_318 = vector.broadcast %squeeze3A_314 : f32 to vector<16xf32>
        %mul3A_319 = arith.mulf %get3A_317, %mul3A_318 : vector<16xf32>
        %swap3A_320 = arith.index_cast %add3A_312 : i32 to index
        %swap3A_321 = arith.constant 0 : index
        %swap3A_322 = tpu.vector_load %arg16[%swap3A_320, %swap3A_321] {strides = array<i32>} : memref<800x32xf32, #tpu.memory_space<vmem>>, vector<16xf32>,
        tpu.vector_store %arg16[%swap3A_320, %swap3A_321], %mul3A_319 {strides = array<i32>} : memref<800x32xf32, #tpu.memory_space<vmem>>, vector<16xf32>,
        %get3A_323 = arith.index_cast %add3A_312 : i32 to index
        %get3A_324 = arith.constant 16 : index
        %get3A_325 = tpu.vector_load %arg16[%get3A_323, %get3A_324] {strides = array<i32>} : memref<800x32xf32, #tpu.memory_space<vmem>>, vector<16xf32>,
        %mul3A_326 = vector.broadcast %squeeze3A_314 : f32 to vector<16xf32>
        %mul3A_327 = arith.mulf %get3A_325, %mul3A_326 : vector<16xf32>
        %swap3A_328 = arith.index_cast %add3A_312 : i32 to index
        %swap3A_329 = arith.constant 16 : index
        %swap3A_330 = tpu.vector_load %arg16[%swap3A_328, %swap3A_329] {strides = array<i32>} : memref<800x32xf32, #tpu.memory_space<vmem>>, vector<16xf32>,
        tpu.vector_store %arg16[%swap3A_328, %swap3A_329], %mul3A_327 {strides = array<i32>} : memref<800x32xf32, #tpu.memory_space<vmem>>, vector<16xf32>,
        %mul3A_331 = arith.constant 16 : i32
        %mul3A_332 = arith.muli %scan3A_66, %mul3A_331 : i32
        %add3A_333 = arith.constant 12 : i32
        %add3A_334 = arith.addi %mul3A_332, %add3A_333 : i32
        %slice3A_335 = vector.extract_strided_slice %get3A_69 {offsets = [12], sizes = [1], strides = [1]} : vector<16xf32> to vector<1xf32>
        %squeeze3A_336 = vector.extract %slice3A_335[0] : f32 from vector<1xf32>
        %get3A_337 = arith.index_cast %add3A_334 : i32 to index
        %get3A_338 = arith.constant 0 : index
        %get3A_339 = tpu.vector_load %arg16[%get3A_337, %get3A_338] {strides = array<i32>} : memref<800x32xf32, #tpu.memory_space<vmem>>, vector<16xf32>,
        %mul3A_340 = vector.broadcast %squeeze3A_336 : f32 to vector<16xf32>
        %mul3A_341 = arith.mulf %get3A_339, %mul3A_340 : vector<16xf32>
        %swap3A_342 = arith.index_cast %add3A_334 : i32 to index
        %swap3A_343 = arith.constant 0 : index
        %swap3A_344 = tpu.vector_load %arg16[%swap3A_342, %swap3A_343] {strides = array<i32>} : memref<800x32xf32, #tpu.memory_space<vmem>>, vector<16xf32>,
        tpu.vector_store %arg16[%swap3A_342, %swap3A_343], %mul3A_341 {strides = array<i32>} : memref<800x32xf32, #tpu.memory_space<vmem>>, vector<16xf32>,
        %get3A_345 = arith.index_cast %add3A_334 : i32 to index
        %get3A_346 = arith.constant 16 : index
        %get3A_347 = tpu.vector_load %arg16[%get3A_345, %get3A_346] {strides = array<i32>} : memref<800x32xf32, #tpu.memory_space<vmem>>, vector<16xf32>,
        %mul3A_348 = vector.broadcast %squeeze3A_336 : f32 to vector<16xf32>
        %mul3A_349 = arith.mulf %get3A_347, %mul3A_348 : vector<16xf32>
        %swap3A_350 = arith.index_cast %add3A_334 : i32 to index
        %swap3A_351 = arith.constant 16 : index
        %swap3A_352 = tpu.vector_load %arg16[%swap3A_350, %swap3A_351] {strides = array<i32>} : memref<800x32xf32, #tpu.memory_space<vmem>>, vector<16xf32>,
        tpu.vector_store %arg16[%swap3A_350, %swap3A_351], %mul3A_349 {strides = array<i32>} : memref<800x32xf32, #tpu.memory_space<vmem>>, vector<16xf32>,
        %mul3A_353 = arith.constant 16 : i32
        %mul3A_354 = arith.muli %scan3A_66, %mul3A_353 : i32
        %add3A_355 = arith.constant 13 : i32
        %add3A_356 = arith.addi %mul3A_354, %add3A_355 : i32
        %slice3A_357 = vector.extract_strided_slice %get3A_69 {offsets = [13], sizes = [1], strides = [1]} : vector<16xf32> to vector<1xf32>
        %squeeze3A_358 = vector.extract %slice3A_357[0] : f32 from vector<1xf32>
        %get3A_359 = arith.index_cast %add3A_356 : i32 to index
        %get3A_360 = arith.constant 0 : index
        %get3A_361 = tpu.vector_load %arg16[%get3A_359, %get3A_360] {strides = array<i32>} : memref<800x32xf32, #tpu.memory_space<vmem>>, vector<16xf32>,
        %mul3A_362 = vector.broadcast %squeeze3A_358 : f32 to vector<16xf32>
        %mul3A_363 = arith.mulf %get3A_361, %mul3A_362 : vector<16xf32>
        %swap3A_364 = arith.index_cast %add3A_356 : i32 to index
        %swap3A_365 = arith.constant 0 : index
        %swap3A_366 = tpu.vector_load %arg16[%swap3A_364, %swap3A_365] {strides = array<i32>} : memref<800x32xf32, #tpu.memory_space<vmem>>, vector<16xf32>,
        tpu.vector_store %arg16[%swap3A_364, %swap3A_365], %mul3A_363 {strides = array<i32>} : memref<800x32xf32, #tpu.memory_space<vmem>>, vector<16xf32>,
        %get3A_367 = arith.index_cast %add3A_356 : i32 to index
        %get3A_368 = arith.constant 16 : index
        %get3A_369 = tpu.vector_load %arg16[%get3A_367, %get3A_368] {strides = array<i32>} : memref<800x32xf32, #tpu.memory_space<vmem>>, vector<16xf32>,
        %mul3A_370 = vector.broadcast %squeeze3A_358 : f32 to vector<16xf32>
        %mul3A_371 = arith.mulf %get3A_369, %mul3A_370 : vector<16xf32>
        %swap3A_372 = arith.index_cast %add3A_356 : i32 to index
        %swap3A_373 = arith.constant 16 : index
        %swap3A_374 = tpu.vector_load %arg16[%swap3A_372, %swap3A_373] {strides = array<i32>} : memref<800x32xf32, #tpu.memory_space<vmem>>, vector<16xf32>,
        tpu.vector_store %arg16[%swap3A_372, %swap3A_373], %mul3A_371 {strides = array<i32>} : memref<800x32xf32, #tpu.memory_space<vmem>>, vector<16xf32>,
        %mul3A_375 = arith.constant 16 : i32
        %mul3A_376 = arith.muli %scan3A_66, %mul3A_375 : i32
        %add3A_377 = arith.constant 14 : i32
        %add3A_378 = arith.addi %mul3A_376, %add3A_377 : i32
        %slice3A_379 = vector.extract_strided_slice %get3A_69 {offsets = [14], sizes = [1], strides = [1]} : vector<16xf32> to vector<1xf32>
        %squeeze3A_380 = vector.extract %slice3A_379[0] : f32 from vector<1xf32>
        %get3A_381 = arith.index_cast %add3A_378 : i32 to index
        %get3A_382 = arith.constant 0 : index
        %get3A_383 = tpu.vector_load %arg16[%get3A_381, %get3A_382] {strides = array<i32>} : memref<800x32xf32, #tpu.memory_space<vmem>>, vector<16xf32>,
        %mul3A_384 = vector.broadcast %squeeze3A_380 : f32 to vector<16xf32>
        %mul3A_385 = arith.mulf %get3A_383, %mul3A_384 : vector<16xf32>
        %swap3A_386 = arith.index_cast %add3A_378 : i32 to index
        %swap3A_387 = arith.constant 0 : index
        %swap3A_388 = tpu.vector_load %arg16[%swap3A_386, %swap3A_387] {strides = array<i32>} : memref<800x32xf32, #tpu.memory_space<vmem>>, vector<16xf32>,
        tpu.vector_store %arg16[%swap3A_386, %swap3A_387], %mul3A_385 {strides = array<i32>} : memref<800x32xf32, #tpu.memory_space<vmem>>, vector<16xf32>,
        %get3A_389 = arith.index_cast %add3A_378 : i32 to index
        %get3A_390 = arith.constant 16 : index
        %get3A_391 = tpu.vector_load %arg16[%get3A_389, %get3A_390] {strides = array<i32>} : memref<800x32xf32, #tpu.memory_space<vmem>>, vector<16xf32>,
        %mul3A_392 = vector.broadcast %squeeze3A_380 : f32 to vector<16xf32>
        %mul3A_393 = arith.mulf %get3A_391, %mul3A_392 : vector<16xf32>
        %swap3A_394 = arith.index_cast %add3A_378 : i32 to index
        %swap3A_395 = arith.constant 16 : index
        %swap3A_396 = tpu.vector_load %arg16[%swap3A_394, %swap3A_395] {strides = array<i32>} : memref<800x32xf32, #tpu.memory_space<vmem>>, vector<16xf32>,
        tpu.vector_store %arg16[%swap3A_394, %swap3A_395], %mul3A_393 {strides = array<i32>} : memref<800x32xf32, #tpu.memory_space<vmem>>, vector<16xf32>,
        %mul3A_397 = arith.constant 16 : i32
        %mul3A_398 = arith.muli %scan3A_66, %mul3A_397 : i32
        %add3A_399 = arith.constant 15 : i32
        %add3A_400 = arith.addi %mul3A_398, %add3A_399 : i32
        %slice3A_401 = vector.extract_strided_slice %get3A_69 {offsets = [15], sizes = [1], strides = [1]} : vector<16xf32> to vector<1xf32>
        %squeeze3A_402 = vector.extract %slice3A_401[0] : f32 from vector<1xf32>
        %get3A_403 = arith.index_cast %add3A_400 : i32 to index
        %get3A_404 = arith.constant 0 : index
        %get3A_405 = tpu.vector_load %arg16[%get3A_403, %get3A_404] {strides = array<i32>} : memref<800x32xf32, #tpu.memory_space<vmem>>, vector<16xf32>,
        %mul3A_406 = vector.broadcast %squeeze3A_402 : f32 to vector<16xf32>
        %mul3A_407 = arith.mulf %get3A_405, %mul3A_406 : vector<16xf32>
        %swap3A_408 = arith.index_cast %add3A_400 : i32 to index
        %swap3A_409 = arith.constant 0 : index
        %swap3A_410 = tpu.vector_load %arg16[%swap3A_408, %swap3A_409] {strides = array<i32>} : memref<800x32xf32, #tpu.memory_space<vmem>>, vector<16xf32>,
        tpu.vector_store %arg16[%swap3A_408, %swap3A_409], %mul3A_407 {strides = array<i32>} : memref<800x32xf32, #tpu.memory_space<vmem>>, vector<16xf32>,
        %get3A_411 = arith.index_cast %add3A_400 : i32 to index
        %get3A_412 = arith.constant 16 : index
        %get3A_413 = tpu.vector_load %arg16[%get3A_411, %get3A_412] {strides = array<i32>} : memref<800x32xf32, #tpu.memory_space<vmem>>, vector<16xf32>,
        %mul3A_414 = vector.broadcast %squeeze3A_402 : f32 to vector<16xf32>
        %mul3A_415 = arith.mulf %get3A_413, %mul3A_414 : vector<16xf32>
        %swap3A_416 = arith.index_cast %add3A_400 : i32 to index
        %swap3A_417 = arith.constant 16 : index
        %swap3A_418 = tpu.vector_load %arg16[%swap3A_416, %swap3A_417] {strides = array<i32>} : memref<800x32xf32, #tpu.memory_space<vmem>>, vector<16xf32>,
        tpu.vector_store %arg16[%swap3A_416, %swap3A_417], %mul3A_415 {strides = array<i32>} : memref<800x32xf32, #tpu.memory_space<vmem>>, vector<16xf32>,
      }
      %scan3A_65 = arith.constant 50 : i32
      "tpu.region"() ({
        %run_scoped3A = tpu.sem_alloc : memref<!tpu.dma_semaphore, #tpu.memory_space<semaphore_mem>>
        %dma_start3A_66 = arith.constant 0 : i32
        %dma_start3A_67 = arith.constant 0 : i32
        %dma_start3A_68 = tpu.memref_slice %arg8[%dma_start3A_66, %dma_start3A_67] : memref<16000x32xf32, #tpu.memory_space<vmem_shared>> -> memref<16000x32xf32, #tpu.memory_space<vmem_shared>>
        tpu.enqueue_indirect_dma source(%arg16 : memref<800x32xf32, #tpu.memory_space<vmem>>) target(%dma_start3A_68 : memref<16000x32xf32, #tpu.memory_space<vmem_shared>>) offsets(%arg14 : memref<800xi32, #tpu.memory_space<vmem>>) semaphore(%run_scoped3A : memref<!tpu.dma_semaphore, #tpu.memory_space<semaphore_mem>>) {add = true}
        %dma_wait3A_69 = arith.constant 0 : i32
        %dma_wait3A_70 = arith.constant 0 : i32
        %dma_wait3A_71 = tpu.memref_slice %arg8[%dma_wait3A_69, %dma_wait3A_70] : memref<16000x32xf32, #tpu.memory_space<vmem_shared>> -> memref<16000x32xf32, #tpu.memory_space<vmem_shared>>
        tpu.wait_indirect_dma semaphore(%run_scoped3A : memref<!tpu.dma_semaphore, #tpu.memory_space<semaphore_mem>>) src(%arg16 : memref<800x32xf32, #tpu.memory_space<vmem>>) dst(%dma_wait3A_71 : memref<16000x32xf32, #tpu.memory_space<vmem_shared>>)
        tpu.yield
      }) : () -> ()
    }
    %scan3A_15 = arith.constant 20 : i32
    %barrier3A_16 = arith.constant 0 : index
    tpu.barrier barrier_id(%barrier3A_16)
    %mul3A_17 = arith.constant 1000 : i32
    %mul3A_18 = arith.muli %arg1, %mul3A_17 : i32
    %mul3A_19 = arith.constant 1000 : i32
    %mul3A_20 = arith.muli %arg1, %mul3A_19 : i32
    "tpu.region"() ({
      %run_scoped3A = tpu.sem_alloc : memref<!tpu.dma_semaphore, #tpu.memory_space<semaphore_mem>>
      %dma_start3A_21 = arith.constant 0 : i32
      %dma_start3A_22 = arith.constant 0 : i32
      %dma_start3A_23 = tpu.memref_slice %arg7[%arg0, %dma_start3A_21, %dma_start3A_22] : memref<2x16000x32xf32, #tpu.memory_space<hbm>> -> memref<1x16000x32xf32, #tpu.memory_space<hbm>>
      %dma_start3A_24 = tpu.memref_squeeze %dma_start3A_23 : memref<1x16000x32xf32, #tpu.memory_space<hbm>> -> memref<16000x32xf32, #tpu.memory_space<hbm>>
      %dma_start3A_25 = arith.constant 0 : i32
      %dma_start3A_26 = tpu.memref_slice %dma_start3A_24[%mul3A_20, %dma_start3A_25] : memref<16000x32xf32, #tpu.memory_space<hbm>> -> memref<1000x32xf32, #tpu.memory_space<hbm>>
      %dma_start3A_27 = arith.constant 0 : i32
      %dma_start3A_28 = tpu.memref_slice %arg8[%mul3A_18, %dma_start3A_27] : memref<16000x32xf32, #tpu.memory_space<vmem_shared>> -> memref<1000x32xf32, #tpu.memory_space<vmem_shared>>
      tpu.enqueue_dma source(%dma_start3A_28 : memref<1000x32xf32, #tpu.memory_space<vmem_shared>>) target(%dma_start3A_26 : memref<1000x32xf32, #tpu.memory_space<hbm>>) target_semaphore(%run_scoped3A : memref<!tpu.dma_semaphore, #tpu.memory_space<semaphore_mem>>)
      %dma_wait3A = arith.constant 0 : i32
      %dma_wait3A_29 = arith.constant 0 : i32
      %dma_wait3A_30 = tpu.memref_slice %arg7[%arg0, %dma_wait3A, %dma_wait3A_29] : memref<2x16000x32xf32, #tpu.memory_space<hbm>> -> memref<1x16000x32xf32, #tpu.memory_space<hbm>>
      %dma_wait3A_31 = tpu.memref_squeeze %dma_wait3A_30 : memref<1x16000x32xf32, #tpu.memory_space<hbm>> -> memref<16000x32xf32, #tpu.memory_space<hbm>>
      %dma_wait3A_32 = arith.constant 0 : i32
      %dma_wait3A_33 = tpu.memref_slice %dma_wait3A_31[%mul3A_20, %dma_wait3A_32] : memref<16000x32xf32, #tpu.memory_space<hbm>> -> memref<1000x32xf32, #tpu.memory_space<hbm>>
      %dma_wait3A_34 = arith.constant 0 : i32
      %dma_wait3A_35 = tpu.memref_slice %arg8[%mul3A_18, %dma_wait3A_34] : memref<16000x32xf32, #tpu.memory_space<vmem_shared>> -> memref<1000x32xf32, #tpu.memory_space<vmem_shared>>
      tpu.wait_dma2 semaphore(%run_scoped3A : memref<!tpu.dma_semaphore, #tpu.memory_space<semaphore_mem>>) src(%dma_wait3A_35 : memref<1000x32xf32, #tpu.memory_space<vmem_shared>>) dst(%dma_wait3A_33 : memref<1000x32xf32, #tpu.memory_space<hbm>>)
      tpu.yield
    }) : () -> ()
    return
  }
}

</mosaic_0001>

<sc_bundles>
// kernel: _spmm_sc.3.cloned.1.call-start
scs
__scs_entry_jumppad:
0x0: {  	(pc) =	sbr.rel $0x88, $3  }
0x1: {  	(tag) =	ssettag $0x0;
	lr =	simm.s32 $0x1  }
0x2: {  	[smem:$0x3F9C] =	sst lr;
	_ =	strace $0xD0000000  }
0x3: {  	_ = 	snop  }
0x4: {  	_ = 	snop  }
0x5: {  	_ = 	snop  }
0x6: {  	_ = 	snop  }
0x7: {  	_ = 	snop  }
__scs_overlays_trampoline_lowered:
0x8: {  	[smem:$0x3FAB] =	sst s0  }
0x9: {  	[smem:$0x3FAC] =	sst s1  }
0xa: {  	[smem:$0x3FAD] =	sst s2  }
0xb: {  	[smem:$0x3FAE] =	sst s3  }
0xc: {  	[smem:$0x3FAF] =	sst s4  }
0xd: {  	[smem:$0x3FB0] =	sst s5  }
0xe: {  	[smem:$0x3FB1] =	sst s6  }
0xf: {  	[smem:$0x3FB2] =	sst s7  }
0x10: {  	[smem:$0x3FB3] =	sst s8  }
0x11: {  	[smem:$0x3FB4] =	sst s9;
	s0 =	simm.s32 @!p0 $0x0  }
0x12: {  	s1 =	sld [smem:$0x3F9A];
	s0 =	simm.s32 @p0 $0x1  }
0x13: {  	[smem:$0x3FB5] =	sst s0;
	s0 =	simm.s32 @!p1 $0x0  }
0x14: {  	s2 =	sld [smem:$0x3F99];
	s0 =	simm.s32 @p1 $0x1  }
0x15: {  	[smem:$0x3FB6] =	sst s0;
	s0 =	simm.s32 @!p2 $0x0  }
0x16: {  	s3 =	sld [smem:$0x3FDB];
	s0 =	simm.s32 @p2 $0x1  }
0x17: {  	s4 =	simm.s32 $0x1BF5;
	[smem:$0x3FB8] =	sst s0  }
0x18: {  	s0 =	sld [smem:$0x3F9B];
	_ =	swait.ge [sflag:s4], $0x0  }
0x19: {  	s7 =	sld [smem:$0x3F9C]  }
0x1a: {  	s8 =	sadd.s32 $0xFFFFE003, lr  }
0x1b: {  	s9 =	sadd.s32 $0xFFFFFEF7, lr;
	s5 =	simm.s32 $0xFFFFFFFF;
	p2 =	slt.u32 s8, $0xFFFFF086  }
0x1c: {  	p1 =	slt.u32 s9, $0xF7A;
	s5 =	simm.s32 @!p2 $0x0  }
0x1d: {  	s5 =	simm.s32 @p1 $0x1;
	p0 =	seq.s32 s7, s2  }
0x1e: {  	s7 =	smul.u32 @!p0 $0xF7A, s2;
	p2 =	seq.s32 @!p0 s5, $0x0  }
0x1f: {  	s9 =	smul.u32 $0xF7A, s1;
	s8 =	simm.s32 @!p0 $0x1BF5;
	p2 =	por !p2, p0  }
0x20: {  	[sflag:s8] =	ssyncset.s32 @!p0 $0xFFFFF086;
	s6 =	sadd.s32 @!p0 s3, s7;
	s7 =	simm.s32 @!p0 $0x108  }
0x21: {  	s3 =	sadd.s32 s3, s9;
	s6 =	sadd.s32 @!p0 $0x88, s6;
	s7 =	simm.s32 @p2 $0x1082  }
0x22: {  	[simem:s7], [sflag:s8] =	dma.local @!p0 [hbm:s6], $0xF7A  }
0x23: {  	s9 =	sor.u32 $0xD0000000, s2;
	s6 =	simm.s32 $0x108;
	_ =	swait.ge @!p0 [sflag:s8], $0x0  }
0x24: {  	s3 =	sadd.s32 $0x88, s3;
	s6 =	simm.s32 @!p1 $0x1082;
	[sflag:s4] =	ssyncset.s32 $0xFFFFF086  }
0x25: {  	[simem:s6], [sflag:s4] =	dma.local [hbm:s3], $0xF7A  }
0x26: {  	[smem:$0x3F9C] =	sst s1;
	(tag) =	ssettag s2;
	_ =	strace s9  }
0x27: {  	s1 =	sld [smem:$0x3FAC]  }
0x28: {  	s2 =	sld [smem:$0x3FAD]  }
0x29: {  	s4 =	sld [smem:$0x3FAF]  }
0x2a: {  	p0 =	seq.s32 s5, $0x0;
	s5 =	sld [smem:$0x3FB0]  }
0x2b: {  	s6 =	sld [smem:$0x3FB1]  }
0x2c: {  	s7 =	sld [smem:$0x3FB2]  }
0x2d: {  	s3 =	simm.s32 $0x108;
	s8 =	sld [smem:$0x3FB3]  }
0x2e: {  	s3 =	simm.s32 @!p0 $0x1082;
	s9 =	sld [smem:$0x3FB4]  }
0x2f: {  	lr =	sadd.s32 s0, s3;
	s0 =	sld [smem:$0x3FAB]  }
0x30: {  	s3 =	sld [smem:$0x3FAE]  }
0x31: {  	[smem:$0x3FB7] =	sst s10  }
0x32: {  	s10 =	sld [smem:$0x3FB5];
	_ =	sdelay $0x3  }
0x33: {  	p0 =	seq.s32 s10, $0x1;
	s10 =	sld [smem:$0x3FB7];
	_ =	sdelay $0x3  }
0x34: {  	[smem:$0x3FB7] =	sst s10  }
0x35: {  	s10 =	sld [smem:$0x3FB6];
	_ =	sdelay $0x3  }
0x36: {  	p1 =	seq.s32 s10, $0x1;
	s10 =	sld [smem:$0x3FB7];
	_ =	sdelay $0x3  }
0x37: {  	[smem:$0x3FB7] =	sst s10  }
0x38: {  	s10 =	sld [smem:$0x3FB8]  }
0x39: {  	_ = 	snop;
	(pc) =	sbr.ind lr, $3  }
0x3a: {  	_ = 	snop  }
0x3b: {  	_ = 	snop  }
0x3c: {  	p2 =	seq.s32 s10, $0x1;
	s10 =	sld [smem:$0x3FB7]  }
0x3d: {  	_ =	shalt  }
0x3e: {  	_ =	shalt  }
0x3f: {  	_ =	shalt  }
0x40: {  	_ =	shalt  }
0x41: {  	_ =	shalt  }
0x42: {  	_ =	shalt  }
0x43: {  	_ =	shalt  }
0x44: {  	_ =	shalt  }
0x45: {  	_ =	shalt  }
0x46: {  	_ =	shalt  }
0x47: {  	_ =	shalt  }
0x48: {  	_ =	shalt  }
0x49: {  	_ =	shalt  }
0x4a: {  	_ =	shalt  }
0x4b: {  	_ =	shalt  }
0x4c: {  	_ =	shalt  }
0x4d: {  	_ =	shalt  }
0x4e: {  	_ =	shalt  }
0x4f: {  	_ =	shalt  }
0x50: {  	_ =	shalt  }
0x51: {  	_ =	shalt  }
0x52: {  	_ =	shalt  }
0x53: {  	_ =	shalt  }
0x54: {  	_ =	shalt  }
0x55: {  	_ =	shalt  }
0x56: {  	_ =	shalt  }
0x57: {  	_ =	shalt  }
0x58: {  	_ =	shalt  }
0x59: {  	_ =	shalt  }
0x5a: {  	_ =	shalt  }
0x5b: {  	_ =	shalt  }
0x5c: {  	_ =	shalt  }
0x5d: {  	_ =	shalt  }
0x5e: {  	_ =	shalt  }
0x5f: {  	_ =	shalt  }
0x60: {  	_ =	shalt  }
0x61: {  	_ =	shalt  }
0x62: {  	_ =	shalt  }
0x63: {  	_ =	shalt  }
0x64: {  	_ =	shalt  }
0x65: {  	_ =	shalt  }
0x66: {  	_ =	shalt  }
0x67: {  	_ =	shalt  }
0x68: {  	_ =	shalt  }
0x69: {  	_ =	shalt  }
0x6a: {  	_ =	shalt  }
0x6b: {  	_ =	shalt  }
0x6c: {  	_ =	shalt  }
0x6d: {  	_ =	shalt  }
0x6e: {  	_ =	shalt  }
0x6f: {  	_ =	shalt  }
0x70: {  	_ =	shalt  }
0x71: {  	_ =	shalt  }
0x72: {  	_ =	shalt  }
0x73: {  	_ =	shalt  }
0x74: {  	_ =	shalt  }
0x75: {  	_ =	shalt  }
0x76: {  	_ =	shalt  }
0x77: {  	_ =	shalt  }
0x78: {  	_ =	shalt  }
0x79: {  	_ =	shalt  }
0x7a: {  	_ =	shalt  }
0x7b: {  	_ =	shalt  }
0x7c: {  	_ =	shalt  }
0x7d: {  	_ =	shalt  }
0x7e: {  	_ =	shalt  }
0x7f: {  	_ =	shalt  }
0x80: {  	_ =	shalt  }
0x81: {  	_ =	shalt  }
0x82: {  	_ =	shalt  }
0x83: {  	_ =	shalt  }
0x84: {  	_ =	shalt  }
0x85: {  	_ =	shalt  }
0x86: {  	_ =	shalt  }
0x87: {  	_ =	shalt  }
.Lfunc_end0:
.L_simem_size_0:
called_computation_lowered:
.L_overlay_start_0:
0x88: {  	s2 =	sld [smem:$0x3FD9]  }
0x89: {  	s3 =	sld [smem:$0x3FFE];
	_ =	sdelay $0x1  }
0x8a: {  	s1 =	srdreg.scid  }
0x8b: {  	s0 =	sand.u32 $0x1, s1  }
0x8c: {  	s17 =	sshll.u32 s0, $0xA;
	s2 =	sadd.s32 s3, s2  }
0x8d: {  	s2 =	sadd.s32 s2, s17  }
0x8e: {  	[smem:$0x3FC3] =	sst s2  }
0x8f: {  	_ = 	snop  }
0x90: {  	s2 =	sld [smem:$0x3FC7]  }
0x91: {  	s18 =	sld [smem:$0x3FC6]  }
0x92: {  	s4 =	sld [smem:$0x3FC5]  }
0x93: {  	s5 =	sld [smem:$0x3FD0];
	(tm) =	ssettm $0x1  }
0x94: {  	s6 =	sld [smem:$0x3FFB];
	_ =	sdelay $0x3  }
0x95: {  	_ =	strace s6  }
0x96: {  	s6 =	sld [smem:$0x3FFC];
	_ =	sdelay $0x3  }
0x97: {  	_ =	strace s6  }
0x98: {  	s6 =	sld [smem:$0x3FFD];
	_ =	sdelay $0x3  }
0x99: {  	_ =	strace s6  }
0x9a: {  	_ =	strace $0x8FFFFFFF  }
0x9b: {  	s19 =	sld [smem:$0x3FDB];
	_ =	sdelay $0x1  }
0x9c: {  	s7 =	simm.s32 $_scs_section_size  }
0x9d: {  	s8 =	simm.s32 $_size__tile_overlayer_lowered;
	s9 =	simm.s32 $_tile_overlayer_lowered  }
0x9e: {  	s22 =	simm.s32 $0x1BFF;
	s21 =	sshll.u32 s9, $0x1;
	s6 =	sadd.s32 s7, s19  }
0x9f: {  	s10 =	simm.s32 $0x0;
	s20 =	sshll.u32 s8, $0x1;
	s8 =	sadd.s32 s21, s6  }
0xa0: {  	[timem:s10], [sflag:s22] =	dma.local [hbm:s8], s20  }
0xa1: {  	_ =	swait.ge [sflag:s22], s20  }
0xa2: {  	s7 =	ssub.s32 $0x0, s20;
	[sflag:s22] =	ssyncset.done $0x0  }
0xa3: {  	[sflag:s22] =	ssyncadd.s32 s7;
	_ =	sdelay $0x1  }
0xa4: {  	s23 =	simm.s32 $0x1B8B  }
0xa5: {  	_ =	swait.ge [sflag:s23], $0x1  }
0xa6: {  	[sflag:s23] =	ssyncset.done $0x0  }
0xa7: {  	s25 =	simm.s32 $0x1B8E;
	s24 =	sld [smem:$0x3FFE];
	[sflag:s23] =	ssyncadd.s32 $0xFFFFFFFF  }
0xa8: {  	s26 =	simm.s32 $execute0_lowered;
	[smem:$0x3FD2] =	sst s25  }
0xa9: {  	s8 =	sshll.u32 s26, $0x1;
	_ =	strace $0x80000046;
	[dreg:$0x1] =	wrdreg $0xFFFFFFFF  }
0xaa: {  	s28 =	simm.s32 $_size_execute0_lowered;
	s6 =	sadd.s32 s6, s8;
	[dreg:$0x0] =	wrdreg $0x0  }
0xab: {  	s8 =	sshll.u32 s28, $0x1;
	[dreg:$0x2] =	wrdreg s6  }
0xac: {  	[dreg:$0x3] =	wrdreg s8  }
0xad: {  	[dreg:$0x4] =	wrdreg $0xC0  }
0xae: {  	_ =	task [dreg:s10], $0x5FFFF  }
0xaf: {  	[dreg:$0x1] =	wrdreg $0xFFFFFFFF  }
0xb0: {  	[dreg:$0x0] =	wrdreg $0x60  }
0xb1: {  	[dreg:$0x2] =	wrdreg s5  }
0xb2: {  	[dreg:$0x3] =	wrdreg s24  }
0xb3: {  	[dreg:$0x4] =	wrdreg s2  }
0xb4: {  	[dreg:$0x5] =	wrdreg s18  }
0xb5: {  	[dreg:$0x6] =	wrdreg s4  }
0xb6: {  	[dreg:$0x7] =	wrdreg $0x0  }
0xb7: {  	[dreg:$0x8] =	wrdreg $0x9  }
0xb8: {  	_ =	task.clear_ibuf [dreg:s10], $0x9FFFF;
	_ =	strace $0x90000046  }
0xb9: {  	s29 =	simm.s32 $0x9;
	_ =	strace $0x80000048  }
0xba: {  	_ =	swait.ge [sflag:s29], $0x1  }
0xbb: {  	[sflag:s29] =	ssyncadd.s32 $0xFFFFFFFF  }
0xbc: {  	_ =	strace $0x90000048  }
0xbd: {  	_ =	sfence  }
0xbe: {  	s30 =	sld [smem:$0x0];
	_ =	sdelay $0x2  }
0xbf: {  	s31 =	sshll.u32 s1, $0xD;
	s1 =	sshrl.u32 s1, $0x2  }
0xc0: {  	s3 =	sand.u32 $0x4000, s31;
	s1 =	sadd.s32 s1, s30  }
0xc1: {  	s0 =	sor.u32 s3, s0;
	s1 =	sshll.u32 s1, $0x11  }
0xc2: {  	s0 =	sor.u32 s1, s0  }
0xc3: {  	s0 =	sadd.s32 $0x8F2B, s0  }
0xc4: {  	[sflag:s0] =	ssyncadd.remote.s32 $0x1  }
0xc5: {  	_ =	sfence.sel $0xFFFF  }
0xc6: {  	[dreg:$0x0] =	wrdreg $0xFFFFFFFF;
	(pc) =	sbr.abs _section_cstart, $3  }
0xc7: {  	[dreg:$0x1] =	wrdreg $0xFFFFFFFF  }
0xc8: {  	_ =	task.clear_ibuf [dreg:s10], $0x2FFFF;
	_ =	strace $0x9FFFFFFF  }
0xc9: {  	(tm) =	ssettm $0x7FFFFFFF  }
tec
execute0_lowered:
.L_overlay_start_1:
0x0: {  	(tag) =	ssettag $0x1  }
0x1: {  	s2 =	rddreg [dreg:$0x0]  }
0x2: {  	s4 =	rddreg [dreg:$0x1]  }
0x3: {  	s0 =	rddreg [dreg:$0x2]  }
0x4: {  	s1 =	rddreg [dreg:$0x3]  }
0x5: {  	s3 =	rddreg [dreg:$0x4];
	s6 =	srdreg.scid  }
0x6: {  	s5 =	rddreg [dreg:$0x5];
	s10 =	stileid.u32;
	s17 =	simm.s32 $0x3  }
0x7: {  	s19 =	simm.s32 $0x8020;
	s21 =	simm.s32 $0x320;
	s28 =	simm.s32 $0xF3C0  }
0x8: {  	s29 =	simm.s32 $0x1;
	s30 =	simm.s32 $0x2;
	s31 =	simm.s32 $0x0  }
0x9: {  	s7 =	sand.u32 $0x1, s6;
	s6 =	simm.s32 $0x0;
	s14 =	smul.u32 $0x7D00, s10  }
0xa: {  	s23 =	sshll.u32 s10, $0x6;
	s9 =	smul.u32 $0xFA00, s7;
	s7 =	ssub.s32 $0x2, s7  }
0xb: {  	[smem:$0x7FF] =	sst s6;
	s8 =	sshrl.u32 s7, $0x1;
	s18 =	sshrl.u32 s14, $0x3  }
0xc: {  	_ =	strace $0x80000047;
	s16 =	sadd.s32 s14, s5;
	s13 =	sadd.s32 $0x320, s14  }
0xd: {  	s14 =	sadd.s32 $0x640, s14;
	s4 =	sadd.s32 s9, s4;
	s7 =	ssub.s32 s7, s8  }
0xe: {  	s24 =	sadd.s32 s0, s18;
	s25 =	sadd.s32 s1, s18;
	s11 =	sadd.s32 s3, s18  }
0xf: {  	s12 =	sadd.s32 s2, s9;
	s16 =	sshrl.u32 s16, $0x3;
	[dreg:$0x8] =	wrdreg s24  }
0x10: {  	s22 =	sadd.s32 s18, s4;
	[dreg:$0x9] =	wrdreg s25;
	s26 =	sadd.s32 $0x1FA00, s4  }
0x11: {  	s15 =	smax.u32 s7, $0x1;
	s25 =	simm.s32 $0xED80;
	s8 =	sadd.s32 $0x600, s22  }
0x12: {  	s22 =	simm.s32 $0x8660;
	s24 =	sadd.s32 s18, s26;
	s26 =	simm.s32 $0xF0A0  }
0x13: {  	[dreg:$0x7] =	wrdreg s8;
	s8 =	sor.u32 $0x1C03, s23;
	s23 =	simm.s32 $0xEA60  }
.LBB2_1:
0x14: {  	s2 =	rddreg [dreg:$0x7]  }
0x15: {  	[spmem:s16], [sflag:s8] =	dma.local [hbm:s2], $0xFA0  }
0x16: {  	_ =	swait.ge [sflag:s17], $0xFA0  }
0x17: {  	[sflag:s17] =	ssyncset.done $0x0  }
0x18: {  	[sflag:s17] =	ssyncadd.s32 $0xFFFFF060  }
0x19: {  	[bflag:$0x0] =	sbarrier.arrive $0xFFFF  }
0x1a: {  	s4 =	simm.s32 $0x7D00;
	s10 =	rddreg [dreg:$0x8]  }
0x1b: {  	[tilespmem:s4], [sflag:$0x3] =	stream.linear.gather [hbm4b:s10+s6], $0x320, $0x38;
	[tilespmem:$0x157C0] =	vst v63  }
0x1c: {  	_ =	swait.ge [sflag:s17], $0x320  }
0x1d: {  	[sflag:s17] =	ssyncset.done $0x0  }
0x1e: {  	s18 =	rddreg [dreg:$0x9];
	[sflag:s17] =	ssyncadd.s32 $0xFFFFFCE0  }
0x1f: {  	[tilespmem:s19], [sflag:$0x3] =	stream.linear.gather [hbm4b:s18+s6], $0x320, $0x38;
	[tilespmem:$0x157C0] =	vst v63  }
0x20: {  	_ =	swait.ge [sflag:s17], $0x320  }
0x21: {  	[sflag:s17] =	ssyncset.done $0x0  }
0x22: {  	s20 =	simm.s32 $0x8340;
	[sflag:s17] =	ssyncadd.s32 $0xFFFFFCE0  }
0x23: {  	[tilespmem:s20], [sflag:$0x3] =	stream.linear.gather [hbm4b:s11+s6], $0x320, $0x38;
	[tilespmem:$0x157C0] =	vst v63  }
0x24: {  	_ =	swait.ge [sflag:s17], $0x320  }
0x25: {  	[sflag:s17] =	ssyncset.done $0x0  }
0x26: {  	s2 =	simm.s32 $0x0;
	[sflag:s17] =	ssyncadd.s32 $0xFFFFFCE0  }
0x27: {  	[tilespmem:s22], [sflag:$0x1] =	stream.indirect.gather [hbm4b:s12+s21], $0x20, s4, s21, $0xb8;
	[tilespmem:$0x157C0] =	vst v63  }
.LBB2_2:
0x28: {  	s4 =	smul.u32 $0x640, s2;
	_ =	sdelay $0x1  }
0x29: {  	s7 =	sadd.s32 s4, s13  }
0x2a: {  	s7 =	sshrl.u32 s7, $0x3  }
0x2b: {  	s18 =	simm.s32 $0x0;
	s9 =	sadd.s32 s0, s7  }
0x2c: {  	[tilespmem:s23], [sflag:$0x3] =	stream.linear.gather [hbm4b:s9+s18], $0x320, $0x38;
	[tilespmem:$0x157C0] =	vst v63  }
0x2d: {  	_ =	swait.ge [sflag:s17], $0x320  }
0x2e: {  	[sflag:s17] =	ssyncset.done $0x0  }
0x2f: {  	s10 =	sadd.s32 s1, s7;
	[sflag:s17] =	ssyncadd.s32 $0xFFFFFCE0  }
0x30: {  	[tilespmem:s25], [sflag:$0x3] =	stream.linear.gather [hbm4b:s10+s18], $0x320, $0x38;
	[tilespmem:$0x157C0] =	vst v63  }
0x31: {  	_ =	swait.ge [sflag:s17], $0x320  }
0x32: {  	[sflag:s17] =	ssyncset.done $0x0  }
0x33: {  	s7 =	sadd.s32 s3, s7;
	[sflag:s17] =	ssyncadd.s32 $0xFFFFFCE0  }
0x34: {  	[tilespmem:s26], [sflag:$0x3] =	stream.linear.gather [hbm4b:s7+s18], $0x320, $0x38;
	[tilespmem:$0x157C0] =	vst v63  }
0x35: {  	_ =	swait.ge [sflag:s17], $0x320  }
0x36: {  	[sflag:s17] =	ssyncset.done $0x0  }
0x37: {  	[sflag:s17] =	ssyncadd.s32 $0xFFFFFCE0  }
0x38: {  	[tilespmem:s28], [sflag:$0x2] =	stream.indirect.gather [hbm4b:s12+s21], $0x20, s23, s21, $0xb8;
	[tilespmem:$0x157C0] =	vst v63  }
0x39: {  	_ =	swait.ge [sflag:s29], $0x6400  }
0x3a: {  	[sflag:s29] =	ssyncset.done $0x0  }
0x3b: {  	s20 =	simm.s32 $0x8760;
	[sflag:s29] =	ssyncadd.s32 $0xFFFF9C00  }
0x3c: {  	v5 =	vld [tilespmem:s20+$0xFFFFFFA0]  }
0x3d: {  	v3 =	vld [tilespmem:s20+$0xFFFFFFF0]  }
0x3e: {  	v0 =	vld [tilespmem:s20+$0xFFFFFF60]  }
0x3f: {  	v6 =	vld [tilespmem:s20+$0xFFFFFFD0]  }
0x40: {  	v7 =	vld [tilespmem:s20+$0x80]  }
0x41: {  	v10 =	vld [tilespmem:s20+$0xFFFFFF10]  }
0x42: {  	v14 =	vld [tilespmem:s20+$0xE0]  }
0x43: {  	v9 =	vld [tilespmem:s20+$0xFFFFFF40]  }
0x44: {  	s18 =	simm.s32 $0x0;
	v1 =	vld [tilespmem:s20+$0xFFFFFF90]  }
0x45: {  	v2 =	vld [tilespmem:s18+$0x8340]  }
0x46: {  	v8 =	vld [tilespmem:s20+$0xFFFFFFC0]  }
0x47: {  	v11 =	vld [tilespmem:s20+$0xFFFFFF00]  }
0x48: {  	v12 =	vld [tilespmem:s20+$0xD0]  }
0x49: {  	v21 =	vld [tilespmem:s20+$0xC0]  }
0x4a: {  	v19 =	vld [tilespmem:s20+$0x90];
	v17 =	vbroadcast v2, $0x0;
	v4 =	vbroadcast v2, $0xF  }
0x4b: {  	v20 =	vld [tilespmem:s20+$0xFFFFFF50];
	v18 =	vbroadcast v2, $0x2;
	v16 =	vbroadcast v2, $0xE  }
0x4c: {  	v15 =	vld [tilespmem:s20+$0xB0];
	v13 =	vbroadcast v2, $0xC;
	v23 =	vmul.f32 v17, v11  }
0x4d: {  	s7 =	simm.s32 $0x40;
	s18 =	simm.s32 $0x8760;
	v11 =	vbroadcast v2, $0xD;
	v22 =	vmul.f32 v9, v18;
	v9 =	vld [tilespmem:s20+$0x60]  }
.LBB2_3:
0x4e: {  	p0 =	sne.s32 s7, $0xC40  }
0x4f: {  	[tilespmem:s20+$0xFFFFFF00] =	vst v23;
	v23 =	vld [tilespmem:s20+$0xFFFFFFB0];
	v21 =	vmul.f32 v21, v16;
	v14 =	vmul.f32 v14, v4;
	s18 =	sadd.s32 $0x200, s18;
	s9 =	smov.u32 s7;
	s7 =	sadd.s32 $0x40, s7  }
0x50: {  	[tilespmem:s20+$0xFFFFFF40] =	vst v22;
	v22 =	vbroadcast v2, $0xA;
	v19 =	vmul.f32 v19, v13;
	v24 =	vld [tilespmem:s20+$0xA0]  }
0x51: {  	v10 =	vmul.f32 v10, v17;
	v17 =	vmul.f32 v20, v18;
	v18 =	vld [tilespmem:s20+$0x70];
	[tilespmem:s20+$0xE0] =	vst v14  }
0x52: {  	v14 =	vbroadcast v2, $0x5;
	v20 =	vld [tilespmem:s20+$0xFFFFFFE0];
	v15 =	vmul.f32 v15, v11;
	[tilespmem:s20+$0xC0] =	vst v21  }
0x53: {  	v12 =	vmul.f32 v12, v16;
	[tilespmem:s20+$0xFFFFFF10] =	vst v10;
	v10 =	vbroadcast v2, $0x6;
	v21 =	vld [tilespmem:s20+$0x40]  }
0x54: {  	v25 =	vbroadcast v2, $0xB;
	v5 =	vmul.f32 v5, v14;
	v16 =	vld [tilespmem:s20+$0xFFFFFF20];
	[tilespmem:s20+$0x90] =	vst v19  }
0x55: {  	v19 =	vbroadcast v2, $0x9;
	[tilespmem:s20+$0xFFFFFF50] =	vst v17;
	v17 =	vld [tilespmem:s20+$0x20];
	v11 =	vmul.f32 v24, v11  }
0x56: {  	v14 =	vmul.f32 v23, v14;
	v23 =	vld [tilespmem:s20+$0x50];
	v18 =	vmul.f32 v18, v25;
	[tilespmem:s20+$0xD0] =	vst v12  }
0x57: {  	v7 =	vmul.f32 v7, v13;
	v12 =	vbroadcast v2, $0x7;
	v24 =	vld [tilespmem:s20+$0x30];
	[tilespmem:s20+$0xA0] =	vst v11  }
0x58: {  	v8 =	vmul.f32 v8, v10;
	v11 =	vbroadcast v2, $0x3;
	v13 =	vld [tilespmem:s20+$0x0];
	[tilespmem:s20+$0x70] =	vst v18  }
0x59: {  	v9 =	vmul.f32 v9, v25;
	v6 =	vmul.f32 v6, v10;
	v10 =	vld [tilespmem:s20+$0x10];
	[tilespmem:s20+$0x80] =	vst v7  }
0x5a: {  	v18 =	vbroadcast v2, $0x8;
	v21 =	vmul.f32 v21, v22;
	v7 =	vld [tilespmem:s20+$0xFFFFFF30];
	[tilespmem:s20+$0xB0] =	vst v15  }
0x5b: {  	v15 =	vbroadcast v2, $0x1;
	v25 =	vld [tilespmem:s20+$0xFFFFFF70];
	[tilespmem:s20+$0xFFFFFFD0] =	vst v6;
	v22 =	vmul.f32 v23, v22  }
0x5c: {  	v3 =	vmul.f32 v3, v12;
	v6 =	vmul.f32 v20, v12;
	[tilespmem:s20+$0xFFFFFFC0] =	vst v8;
	v8 =	vld [tilespmem:s20+$0xF0]  }
0x5d: {  	v20 =	vmul.f32 v24, v19;
	v12 =	vld [tilespmem:s20+$0xFFFFFF80];
	[tilespmem:s20+$0xFFFFFFA0] =	vst v5;
	v13 =	vmul.f32 v13, v18  }
0x5e: {  	v5 =	vld [tilespmem:s18+$0xFFFFFFA0];
	[tilespmem:s20+$0xFFFFFFF0] =	vst v3;
	v18 =	vmul.f32 v10, v18;
	v10 =	vmul.f32 v17, v19  }
0x5f: {  	v3 =	vmul.f32 v16, v15;
	v15 =	vmul.f32 v7, v15;
	[tilespmem:s20+$0x60] =	vst v9  }
0x60: {  	v0 =	vmul.f32 v0, v11;
	v7 =	vmul.f32 v25, v11;
	[tilespmem:s20+$0xFFFFFFB0] =	vst v14  }
0x61: {  	v2 =	vbroadcast v2, $0x4;
	[tilespmem:s20+$0xFFFFFF20] =	vst v3;
	v3 =	vmul.f32 v8, v4  }
0x62: {  	[tilespmem:s20+$0xFFFFFF60] =	vst v0  }
0x63: {  	v4 =	vmul.f32 v12, v2;
	v0 =	vmul.f32 v1, v2;
	[tilespmem:s20+$0x40] =	vst v21  }
0x64: {  	[tilespmem:s20+$0xFFFFFFE0] =	vst v6  }
0x65: {  	[tilespmem:s20+$0xF0] =	vst v3  }
0x66: {  	[tilespmem:s20+$0xFFFFFF90] =	vst v0  }
0x67: {  	v3 =	vld [tilespmem:s18+$0xFFFFFFF0];
	[tilespmem:s20+$0xFFFFFF70] =	vst v7  }
0x68: {  	v0 =	vld [tilespmem:s18+$0xFFFFFF60];
	[tilespmem:s20+$0x20] =	vst v10  }
0x69: {  	v6 =	vld [tilespmem:s18+$0xFFFFFFD0];
	[tilespmem:s20+$0x30] =	vst v20  }
0x6a: {  	v7 =	vld [tilespmem:s18+$0x80];
	[tilespmem:s20+$0xFFFFFF80] =	vst v4  }
0x6b: {  	v10 =	vld [tilespmem:s18+$0xFFFFFF10];
	[tilespmem:s20+$0x50] =	vst v22  }
0x6c: {  	v14 =	vld [tilespmem:s18+$0xE0];
	[tilespmem:s20+$0x0] =	vst v13  }
0x6d: {  	v9 =	vld [tilespmem:s18+$0xFFFFFF40];
	[tilespmem:s20+$0xFFFFFF30] =	vst v15  }
0x6e: {  	s9 =	sshra.s32 s9, $0x2;
	v1 =	vld [tilespmem:s18+$0xFFFFFF90];
	[tilespmem:s20+$0x10] =	vst v18;
	s20 =	smov.u32 s18  }
0x6f: {  	v2 =	vld [tilespmem:s9+$0x8340]  }
0x70: {  	v8 =	vld [tilespmem:s18+$0xFFFFFFC0]  }
0x71: {  	v11 =	vld [tilespmem:s18+$0xFFFFFF00]  }
0x72: {  	v12 =	vld [tilespmem:s18+$0xD0]  }
.Ltmp0:
0x73: {  	v21 =	vld [tilespmem:s18+$0xC0];
	(pc) =	sbr.rel @p0 .LBB2_3-.Ltmp0, $4  }
0x74: {  	v17 =	vbroadcast v2, $0x0;
	v19 =	vld [tilespmem:s18+$0x90];
	v4 =	vbroadcast v2, $0xF  }
0x75: {  	v18 =	vbroadcast v2, $0x2;
	v16 =	vbroadcast v2, $0xE;
	v20 =	vld [tilespmem:s18+$0xFFFFFF50]  }
0x76: {  	v23 =	vmul.f32 v17, v11;
	v11 =	vbroadcast v2, $0xD;
	v15 =	vld [tilespmem:s18+$0xB0]  }
0x77: {  	v13 =	vbroadcast v2, $0xC;
	v22 =	vmul.f32 v9, v18;
	v9 =	vld [tilespmem:s18+$0x60]  }
0x78: {  	[tilespmem:s20+$0xFFFFFF00] =	vst v23;
	v14 =	vmul.f32 v14, v4  }
0x79: {  	v21 =	vmul.f32 v21, v16;
	[tilespmem:s20+$0xFFFFFF40] =	vst v22  }
0x7a: {  	v10 =	vmul.f32 v10, v17;
	[tilespmem:s20+$0xE0] =	vst v14  }
0x7b: {  	v17 =	vld [tilespmem:s20+$0x70];
	v7 =	vmul.f32 v7, v13;
	[tilespmem:s20+$0xC0] =	vst v21  }
0x7c: {  	v14 =	vmul.f32 v19, v13;
	v18 =	vmul.f32 v20, v18;
	[tilespmem:s20+$0xFFFFFF10] =	vst v10  }
0x7d: {  	v22 =	vld [tilespmem:s20+$0xA0];
	v10 =	vmul.f32 v12, v16;
	v16 =	vbroadcast v2, $0xB;
	[tilespmem:s20+$0x80] =	vst v7  }
0x7e: {  	[tilespmem:s20+$0x90] =	vst v14  }
0x7f: {  	v7 =	vbroadcast v2, $0x7;
	[tilespmem:s20+$0xFFFFFF50] =	vst v18;
	v9 =	vmul.f32 v9, v16  }
0x80: {  	[tilespmem:s20+$0xD0] =	vst v10;
	v17 =	vmul.f32 v17, v16  }
0x81: {  	v12 =	vld [tilespmem:s20+$0xFFFFFF20];
	v3 =	vmul.f32 v3, v7;
	[tilespmem:s20+$0x60] =	vst v9  }
0x82: {  	v10 =	vbroadcast v2, $0x6;
	v18 =	vmul.f32 v22, v11;
	[tilespmem:s20+$0x70] =	vst v17  }
0x83: {  	v14 =	vld [tilespmem:s20+$0xFFFFFFE0];
	v11 =	vmul.f32 v15, v11;
	[tilespmem:s20+$0xFFFFFFF0] =	vst v3  }
0x84: {  	v19 =	vld [tilespmem:s20+$0xFFFFFFB0];
	v16 =	vbroadcast v2, $0x1;
	v6 =	vmul.f32 v6, v10;
	[tilespmem:s20+$0xA0] =	vst v18  }
0x85: {  	v15 =	vbroadcast v2, $0x5;
	v8 =	vmul.f32 v8, v10;
	[tilespmem:s20+$0xB0] =	vst v11  }
0x86: {  	v12 =	vmul.f32 v12, v16;
	[tilespmem:s20+$0xFFFFFFD0] =	vst v6  }
0x87: {  	v20 =	vld [tilespmem:s20+$0x40];
	v5 =	vmul.f32 v5, v15;
	[tilespmem:s20+$0xFFFFFFC0] =	vst v8  }
0x88: {  	v18 =	vld [tilespmem:s20+$0xF0];
	[tilespmem:s20+$0xFFFFFF20] =	vst v12;
	v7 =	vmul.f32 v14, v7;
	v12 =	vbroadcast v2, $0x4  }
0x89: {  	v11 =	vld [tilespmem:s20+$0xFFFFFF70];
	[tilespmem:s20+$0xFFFFFFA0] =	vst v5;
	v5 =	vmul.f32 v19, v15;
	v15 =	vbroadcast v2, $0x3  }
0x8a: {  	v13 =	vld [tilespmem:s20+$0x20];
	v3 =	vbroadcast v2, $0xA;
	v1 =	vmul.f32 v1, v12;
	[tilespmem:s20+$0xFFFFFFE0] =	vst v7  }
0x8b: {  	v17 =	vld [tilespmem:s20+$0x30];
	v0 =	vmul.f32 v0, v15;
	[tilespmem:s20+$0xFFFFFFB0] =	vst v5  }
0x8c: {  	v6 =	vld [tilespmem:s20+$0xFFFFFF80];
	v5 =	vmul.f32 v20, v3;
	[tilespmem:s20+$0xFFFFFF90] =	vst v1  }
0x8d: {  	v21 =	vld [tilespmem:s20+$0x50];
	[tilespmem:s20+$0xFFFFFF60] =	vst v0;
	v0 =	vmul.f32 v18, v4;
	v4 =	vbroadcast v2, $0x9  }
0x8e: {  	v10 =	vld [tilespmem:s20+$0x0];
	[tilespmem:s20+$0x40] =	vst v5;
	v5 =	vmul.f32 v11, v15  }
0x8f: {  	v9 =	vld [tilespmem:s20+$0xFFFFFF30];
	[tilespmem:s20+$0xF0] =	vst v0;
	v0 =	vmul.f32 v13, v4  }
0x90: {  	v8 =	vld [tilespmem:s20+$0x10];
	v1 =	vmul.f32 v17, v4;
	[tilespmem:s20+$0xFFFFFF70] =	vst v5  }
0x91: {  	v2 =	vbroadcast v2, $0x8;
	v4 =	vmul.f32 v6, v12;
	[tilespmem:s20+$0x20] =	vst v0  }
0x92: {  	v0 =	vmul.f32 v21, v3;
	[tilespmem:s20+$0x30] =	vst v1  }
0x93: {  	v1 =	vmul.f32 v10, v2;
	[tilespmem:s20+$0xFFFFFF80] =	vst v4  }
0x94: {  	v3 =	vmul.f32 v9, v16;
	[tilespmem:s20+$0x50] =	vst v0  }
0x95: {  	v0 =	vmul.f32 v8, v2;
	[tilespmem:s20+$0x0] =	vst v1  }
0x96: {  	[tilespmem:s20+$0xFFFFFF30] =	vst v3  }
0x97: {  	p0 =	seq.s32 s2, $0x13;
	[tilespmem:s20+$0x10] =	vst v0  }
0x98: {  	[spmem:s5] =	stream.indirect.scatter.add.f32 [tilespmem:s22], [sflag:$0x3], $0x20, s19, s21, $0xb8;
	[tilespmem:$0x157C0] =	vst v63  }
0x99: {  	s4 =	sadd.s32 @!p0 s4, s14;
	_ =	swait.ge [sflag:s17], $0x6400  }
0x9a: {  	s9 =	simm.s32 @!p0 $0x0;
	s4 =	sshrl.u32 @!p0 s4, $0x3;
	[sflag:s17] =	ssyncset.done $0x0  }
0x9b: {  	s18 =	simm.s32 @!p0 $0x7D00;
	s7 =	sadd.s32 @!p0 s0, s4;
	[sflag:s17] =	ssyncadd.s32 $0xFFFF9C00  }
0x9c: {  	[tilespmem:s18], [sflag:$0x3] =	stream.linear.gather @!p0 [hbm4b:s7+s9], $0x320, $0x38;
	[tilespmem:$0x157C0] =	vst v63  }
0x9d: {  	s7 =	simm.s32 @!p0 $0x3  }
0x9e: {  	_ =	swait.ge @!p0 [sflag:s7], $0x320  }
0x9f: {  	[sflag:s7] =	ssyncset.done @!p0 $0x0  }
0xa0: {  	s10 =	simm.s32 @!p0 $0x8020;
	s20 =	sadd.s32 @!p0 s1, s4;
	[sflag:s7] =	ssyncadd.s32 @!p0 $0xFFFFFCE0  }
0xa1: {  	[tilespmem:s10], [sflag:$0x3] =	stream.linear.gather @!p0 [hbm4b:s20+s9], $0x320, $0x38;
	[tilespmem:$0x157C0] =	vst v63  }
0xa2: {  	_ =	swait.ge @!p0 [sflag:s7], $0x320  }
0xa3: {  	[sflag:s7] =	ssyncset.done @!p0 $0x0  }
0xa4: {  	s4 =	sadd.s32 @!p0 s3, s4;
	s10 =	simm.s32 @!p0 $0x8340;
	[sflag:s7] =	ssyncadd.s32 @!p0 $0xFFFFFCE0  }
0xa5: {  	[tilespmem:s10], [sflag:$0x3] =	stream.linear.gather @!p0 [hbm4b:s4+s9], $0x320, $0x38;
	[tilespmem:$0x157C0] =	vst v63  }
0xa6: {  	_ =	swait.ge @!p0 [sflag:s7], $0x320  }
0xa7: {  	[sflag:s7] =	ssyncset.done @!p0 $0x0  }
0xa8: {  	s4 =	simm.s32 @!p0 $0x320;
	[sflag:s7] =	ssyncadd.s32 @!p0 $0xFFFFFCE0;
	s7 =	simm.s32 @!p0 $0x8660  }
0xa9: {  	[tilespmem:s7], [sflag:$0x1] =	stream.indirect.gather @!p0 [hbm4b:s12+s4], $0x20, s18, s4, $0xb8;
	[tilespmem:$0x157C0] =	vst v63  }
0xaa: {  	_ =	swait.ge [sflag:s30], $0x6400  }
0xab: {  	[sflag:s30] =	ssyncset.done $0x0  }
0xac: {  	s4 =	simm.s32 $0xF4C0;
	[sflag:s30] =	ssyncadd.s32 $0xFFFF9C00  }
0xad: {  	v5 =	vld [tilespmem:s4+$0xFFFFFFA0]  }
0xae: {  	v3 =	vld [tilespmem:s4+$0xFFFFFFF0]  }
0xaf: {  	v0 =	vld [tilespmem:s4+$0xFFFFFF60]  }
0xb0: {  	v6 =	vld [tilespmem:s4+$0xFFFFFFD0]  }
0xb1: {  	v7 =	vld [tilespmem:s4+$0x80]  }
0xb2: {  	v10 =	vld [tilespmem:s4+$0xFFFFFF10]  }
0xb3: {  	v14 =	vld [tilespmem:s4+$0xE0]  }
0xb4: {  	v9 =	vld [tilespmem:s4+$0xFFFFFF40]  }
0xb5: {  	s20 =	simm.s32 $0x0;
	v1 =	vld [tilespmem:s4+$0xFFFFFF90]  }
0xb6: {  	v2 =	vld [tilespmem:s20+$0xF0A0]  }
0xb7: {  	v8 =	vld [tilespmem:s4+$0xFFFFFFC0]  }
0xb8: {  	v11 =	vld [tilespmem:s4+$0xFFFFFF00]  }
0xb9: {  	v12 =	vld [tilespmem:s4+$0xD0]  }
0xba: {  	v21 =	vld [tilespmem:s4+$0xC0]  }
0xbb: {  	v19 =	vld [tilespmem:s4+$0x90];
	v17 =	vbroadcast v2, $0x0;
	v4 =	vbroadcast v2, $0xF  }
0xbc: {  	v20 =	vld [tilespmem:s4+$0xFFFFFF50];
	v18 =	vbroadcast v2, $0x2;
	v16 =	vbroadcast v2, $0xE  }
0xbd: {  	v15 =	vld [tilespmem:s4+$0xB0];
	v13 =	vbroadcast v2, $0xC;
	v23 =	vmul.f32 v17, v11  }
0xbe: {  	s2 =	sadd.s32 $0x1, s2;
	s7 =	simm.s32 $0x40;
	s18 =	simm.s32 $0xF4C0;
	v11 =	vbroadcast v2, $0xD;
	v22 =	vmul.f32 v9, v18;
	v9 =	vld [tilespmem:s4+$0x60]  }
.LBB2_5:
0xbf: {  	p0 =	sne.s32 s7, $0xC40  }
0xc0: {  	[tilespmem:s4+$0xFFFFFF00] =	vst v23;
	v23 =	vld [tilespmem:s4+$0xFFFFFFB0];
	v21 =	vmul.f32 v21, v16;
	v14 =	vmul.f32 v14, v4;
	s18 =	sadd.s32 $0x200, s18;
	s9 =	smov.u32 s7;
	s7 =	sadd.s32 $0x40, s7  }
0xc1: {  	[tilespmem:s4+$0xFFFFFF40] =	vst v22;
	v22 =	vbroadcast v2, $0xA;
	v19 =	vmul.f32 v19, v13;
	v24 =	vld [tilespmem:s4+$0xA0]  }
0xc2: {  	v10 =	vmul.f32 v10, v17;
	v17 =	vmul.f32 v20, v18;
	v18 =	vld [tilespmem:s4+$0x70];
	[tilespmem:s4+$0xE0] =	vst v14  }
0xc3: {  	v14 =	vbroadcast v2, $0x5;
	v20 =	vld [tilespmem:s4+$0xFFFFFFE0];
	v15 =	vmul.f32 v15, v11;
	[tilespmem:s4+$0xC0] =	vst v21  }
0xc4: {  	v12 =	vmul.f32 v12, v16;
	[tilespmem:s4+$0xFFFFFF10] =	vst v10;
	v10 =	vbroadcast v2, $0x6;
	v21 =	vld [tilespmem:s4+$0x40]  }
0xc5: {  	v25 =	vbroadcast v2, $0xB;
	v5 =	vmul.f32 v5, v14;
	v16 =	vld [tilespmem:s4+$0xFFFFFF20];
	[tilespmem:s4+$0x90] =	vst v19  }
0xc6: {  	v19 =	vbroadcast v2, $0x9;
	[tilespmem:s4+$0xFFFFFF50] =	vst v17;
	v17 =	vld [tilespmem:s4+$0x20];
	v11 =	vmul.f32 v24, v11  }
0xc7: {  	v14 =	vmul.f32 v23, v14;
	v23 =	vld [tilespmem:s4+$0x50];
	v18 =	vmul.f32 v18, v25;
	[tilespmem:s4+$0xD0] =	vst v12  }
0xc8: {  	v7 =	vmul.f32 v7, v13;
	v12 =	vbroadcast v2, $0x7;
	v24 =	vld [tilespmem:s4+$0x30];
	[tilespmem:s4+$0xA0] =	vst v11  }
0xc9: {  	v8 =	vmul.f32 v8, v10;
	v11 =	vbroadcast v2, $0x3;
	v13 =	vld [tilespmem:s4+$0x0];
	[tilespmem:s4+$0x70] =	vst v18  }
0xca: {  	v9 =	vmul.f32 v9, v25;
	v6 =	vmul.f32 v6, v10;
	v10 =	vld [tilespmem:s4+$0x10];
	[tilespmem:s4+$0x80] =	vst v7  }
0xcb: {  	v18 =	vbroadcast v2, $0x8;
	v21 =	vmul.f32 v21, v22;
	v7 =	vld [tilespmem:s4+$0xFFFFFF30];
	[tilespmem:s4+$0xB0] =	vst v15  }
0xcc: {  	v15 =	vbroadcast v2, $0x1;
	v25 =	vld [tilespmem:s4+$0xFFFFFF70];
	[tilespmem:s4+$0xFFFFFFD0] =	vst v6;
	v22 =	vmul.f32 v23, v22  }
0xcd: {  	v3 =	vmul.f32 v3, v12;
	v6 =	vmul.f32 v20, v12;
	[tilespmem:s4+$0xFFFFFFC0] =	vst v8;
	v8 =	vld [tilespmem:s4+$0xF0]  }
0xce: {  	v20 =	vmul.f32 v24, v19;
	v12 =	vld [tilespmem:s4+$0xFFFFFF80];
	[tilespmem:s4+$0xFFFFFFA0] =	vst v5;
	v13 =	vmul.f32 v13, v18  }
0xcf: {  	v5 =	vld [tilespmem:s18+$0xFFFFFFA0];
	[tilespmem:s4+$0xFFFFFFF0] =	vst v3;
	v18 =	vmul.f32 v10, v18;
	v10 =	vmul.f32 v17, v19  }
0xd0: {  	v3 =	vmul.f32 v16, v15;
	v15 =	vmul.f32 v7, v15;
	[tilespmem:s4+$0x60] =	vst v9  }
0xd1: {  	v0 =	vmul.f32 v0, v11;
	v7 =	vmul.f32 v25, v11;
	[tilespmem:s4+$0xFFFFFFB0] =	vst v14  }
0xd2: {  	v2 =	vbroadcast v2, $0x4;
	[tilespmem:s4+$0xFFFFFF20] =	vst v3;
	v3 =	vmul.f32 v8, v4  }
0xd3: {  	[tilespmem:s4+$0xFFFFFF60] =	vst v0  }
0xd4: {  	v4 =	vmul.f32 v12, v2;
	v0 =	vmul.f32 v1, v2;
	[tilespmem:s4+$0x40] =	vst v21  }
0xd5: {  	[tilespmem:s4+$0xFFFFFFE0] =	vst v6  }
0xd6: {  	[tilespmem:s4+$0xF0] =	vst v3  }
0xd7: {  	[tilespmem:s4+$0xFFFFFF90] =	vst v0  }
0xd8: {  	v3 =	vld [tilespmem:s18+$0xFFFFFFF0];
	[tilespmem:s4+$0xFFFFFF70] =	vst v7  }
0xd9: {  	v0 =	vld [tilespmem:s18+$0xFFFFFF60];
	[tilespmem:s4+$0x20] =	vst v10  }
0xda: {  	v6 =	vld [tilespmem:s18+$0xFFFFFFD0];
	[tilespmem:s4+$0x30] =	vst v20  }
0xdb: {  	v7 =	vld [tilespmem:s18+$0x80];
	[tilespmem:s4+$0xFFFFFF80] =	vst v4  }
0xdc: {  	v10 =	vld [tilespmem:s18+$0xFFFFFF10];
	[tilespmem:s4+$0x50] =	vst v22  }
0xdd: {  	v14 =	vld [tilespmem:s18+$0xE0];
	[tilespmem:s4+$0x0] =	vst v13  }
0xde: {  	v9 =	vld [tilespmem:s18+$0xFFFFFF40];
	[tilespmem:s4+$0xFFFFFF30] =	vst v15  }
0xdf: {  	s9 =	sshra.s32 s9, $0x2;
	v1 =	vld [tilespmem:s18+$0xFFFFFF90];
	[tilespmem:s4+$0x10] =	vst v18;
	s4 =	smov.u32 s18  }
0xe0: {  	v2 =	vld [tilespmem:s9+$0xF0A0]  }
0xe1: {  	v8 =	vld [tilespmem:s18+$0xFFFFFFC0]  }
0xe2: {  	v11 =	vld [tilespmem:s18+$0xFFFFFF00]  }
0xe3: {  	v12 =	vld [tilespmem:s18+$0xD0]  }
.Ltmp1:
0xe4: {  	v21 =	vld [tilespmem:s18+$0xC0];
	(pc) =	sbr.rel @p0 .LBB2_5-.Ltmp1, $4  }
0xe5: {  	v17 =	vbroadcast v2, $0x0;
	v19 =	vld [tilespmem:s18+$0x90];
	v4 =	vbroadcast v2, $0xF  }
0xe6: {  	v18 =	vbroadcast v2, $0x2;
	v16 =	vbroadcast v2, $0xE;
	v20 =	vld [tilespmem:s18+$0xFFFFFF50]  }
0xe7: {  	v23 =	vmul.f32 v17, v11;
	v11 =	vbroadcast v2, $0xD;
	v15 =	vld [tilespmem:s18+$0xB0]  }
0xe8: {  	v13 =	vbroadcast v2, $0xC;
	v22 =	vmul.f32 v9, v18;
	v9 =	vld [tilespmem:s18+$0x60]  }
0xe9: {  	[tilespmem:s4+$0xFFFFFF00] =	vst v23;
	v14 =	vmul.f32 v14, v4  }
0xea: {  	v21 =	vmul.f32 v21, v16;
	[tilespmem:s4+$0xFFFFFF40] =	vst v22  }
0xeb: {  	v10 =	vmul.f32 v10, v17;
	[tilespmem:s4+$0xE0] =	vst v14  }
0xec: {  	v28 =	vmul.f32 v12, v16;
	[tilespmem:s4+$0xC0] =	vst v21  }
0xed: {  	v26 =	vmul.f32 v19, v13;
	[tilespmem:s4+$0xFFFFFF10] =	vst v10  }
0xee: {  	v34 =	vbroadcast v2, $0x6;
	v7 =	vmul.f32 v7, v13;
	[tilespmem:s4+$0xD0] =	vst v28  }
0xef: {  	v18 =	vmul.f32 v20, v18;
	[tilespmem:s4+$0x90] =	vst v26  }
0xf0: {  	v38 =	vbroadcast v2, $0x5;
	v6 =	vmul.f32 v6, v34;
	[tilespmem:s4+$0x80] =	vst v7  }
0xf1: {  	v40 =	vbroadcast v2, $0x7;
	v8 =	vmul.f32 v8, v34;
	[tilespmem:s4+$0xFFFFFF50] =	vst v18  }
0xf2: {  	v47 =	vbroadcast v2, $0x3;
	v5 =	vmul.f32 v5, v38;
	[tilespmem:s4+$0xFFFFFFD0] =	vst v6  }
0xf3: {  	v24 =	vld [tilespmem:s4+$0xA0];
	v52 =	vbroadcast v2, $0x4;
	v3 =	vmul.f32 v3, v40;
	[tilespmem:s4+$0xFFFFFFC0] =	vst v8  }
0xf4: {  	v25 =	vld [tilespmem:s4+$0x70];
	v0 =	vmul.f32 v0, v47;
	[tilespmem:s4+$0xFFFFFFA0] =	vst v5  }
0xf5: {  	v27 =	vld [tilespmem:s4+$0xFFFFFFB0];
	v30 =	vbroadcast v2, $0xB;
	v1 =	vmul.f32 v1, v52;
	[tilespmem:s4+$0xFFFFFFF0] =	vst v3  }
0xf6: {  	v29 =	vld [tilespmem:s4+$0xFFFFFF20];
	v36 =	vmul.f32 v15, v11;
	[tilespmem:s4+$0xFFFFFF60] =	vst v0  }
0xf7: {  	v33 =	vld [tilespmem:s4+$0x40];
	v9 =	vmul.f32 v9, v30;
	[tilespmem:s4+$0xFFFFFF90] =	vst v1  }
0xf8: {  	v31 =	vld [tilespmem:s4+$0xFFFFFFE0];
	v32 =	vmul.f32 v24, v11;
	[tilespmem:s4+$0xB0] =	vst v36  }
0xf9: {  	v45 =	vbroadcast v2, $0x1;
	v48 =	vld [tilespmem:s4+$0xF0];
	v17 =	vmul.f32 v25, v30;
	[tilespmem:s4+$0x60] =	vst v9  }
0xfa: {  	v42 =	vld [tilespmem:s4+$0xFFFFFF70];
	v49 =	vbroadcast v2, $0xA;
	v46 =	vmul.f32 v27, v38;
	[tilespmem:s4+$0xA0] =	vst v32  }
0xfb: {  	v37 =	vld [tilespmem:s4+$0x20];
	v12 =	vmul.f32 v29, v45;
	[tilespmem:s4+$0x70] =	vst v17  }
0xfc: {  	v39 =	vld [tilespmem:s4+$0x30];
	v51 =	vmul.f32 v33, v49;
	[tilespmem:s4+$0xFFFFFFB0] =	vst v46  }
0xfd: {  	v43 =	vld [tilespmem:s4+$0xFFFFFF80];
	v7 =	vmul.f32 v31, v40;
	[tilespmem:s4+$0xFFFFFF20] =	vst v12  }
0xfe: {  	v35 =	vld [tilespmem:s4+$0x50];
	v54 =	vbroadcast v2, $0x9;
	v53 =	vmul.f32 v48, v4;
	[tilespmem:s4+$0x40] =	vst v51  }
0xff: {  	v41 =	vld [tilespmem:s4+$0x0];
	v55 =	vmul.f32 v42, v47;
	[tilespmem:s4+$0xFFFFFFE0] =	vst v7  }
0x100: {  	v50 =	vld [tilespmem:s4+$0xFFFFFF30];
	v56 =	vmul.f32 v37, v54;
	[tilespmem:s4+$0xF0] =	vst v53  }
0x101: {  	v44 =	vld [tilespmem:s4+$0x10];
	v57 =	vmul.f32 v39, v54;
	[tilespmem:s4+$0xFFFFFF70] =	vst v55  }
0x102: {  	v58 =	vbroadcast v2, $0x8;
	v59 =	vmul.f32 v43, v52;
	[tilespmem:s4+$0x20] =	vst v56  }
0x103: {  	v60 =	vmul.f32 v35, v49;
	[tilespmem:s4+$0x30] =	vst v57  }
0x104: {  	v61 =	vmul.f32 v41, v58;
	[tilespmem:s4+$0xFFFFFF80] =	vst v59  }
0x105: {  	v62 =	vmul.f32 v50, v45;
	[tilespmem:s4+$0x50] =	vst v60  }
0x106: {  	v63 =	vmul.f32 v44, v58;
	[tilespmem:s4+$0x0] =	vst v61  }
0x107: {  	p0 =	sne.s32 s2, $0x14;
	[tilespmem:s4+$0xFFFFFF30] =	vst v62  }
.Ltmp2:
0x108: {  	[tilespmem:s4+$0x10] =	vst v63;
	(pc) =	sbr.rel @p0 .LBB2_2-.Ltmp2, $4  }
0x109: {  	[spmem:s5] =	stream.indirect.scatter.add.f32 [tilespmem:s28], [sflag:$0x3], $0x20, s25, s21, $0xb8;
	[tilespmem:$0x157C0] =	vst v63  }
0x10a: {  	_ =	swait.ge [sflag:s17], $0x6400  }
0x10b: {  	[sflag:s17] =	ssyncset.done $0x0  }
0x10c: {  	[sflag:s17] =	ssyncadd.s32 $0xFFFF9C00  }
0x10d: {  	s31 =	sadd.s32 $0x1, s31  }
0x10e: {  	p0 =	sne.s32 s31, s15  }
.Ltmp3:
0x10f: {  	[bflag:$0x0] =	sbarrier.arrive $0xFFFF;
	(pc) =	sbr.rel @p0 .LBB2_1-.Ltmp3, $4  }
0x110: {  	[hbm:s24], [sflag:s8] =	dma.local [spmem:s16], $0xFA0  }
0x111: {  	_ =	swait.ge [sflag:s17], $0xFA0  }
0x112: {  	[sflag:s17] =	ssyncset.done $0x0  }
0x113: {  	[sflag:s17] =	ssyncadd.s32 $0xFFFFF060  }
0x114: {  	_ =	sfence.sel $0x180000  }
0x115: {  	[bflag:$0x0] =	sbarrier.arrive $0xFFFF  }
0x116: {  	_ =	strace $0x90000047  }
0x117: {  	s0 =	stileid.u32;
	[bflag:$0x2] =	sbarrier.arrive $0xFFFF  }
0x118: {  	p0 =	sne.s32 s0, $0x0;
	s0 =	rddreg [dreg:$0x6]  }
0x119: {  	s0 =	sadd.s32 @!p0 $0x100000, s0  }
0x11a: {  	[sflag:s0] =	ssyncadd.tile.s32 @!p0 $0x1;
	_ =	shalt  }
.Lfunc_end2:
_tile_overlayer_lowered:
.L_overlay_start_2:
0x11b: {  	(tag) =	ssettag $0x2  }
0x11c: {  	s0 =	rddreg [dreg:$0x0];
	s2 =	stileid.u32  }
0x11d: {  	s1 =	rddreg [dreg:$0x1];
	p0 =	sne.s32 s2, $0x0  }
0x11e: {  	s3 =	rddreg [dreg:$0x2];
	[bflag:$0x3] =	sbarrier.arrive $0xFFFF;
	s2 =	simm.s32 @!p0 $0x1C03  }
0x11f: {  	[timem:s3], [sflag:s2] =	dma.local @!p0 [hbm:s0], s1  }
0x120: {  	s0 =	simm.s32 @!p0 $0x3  }
0x121: {  	_ =	swait.ge @!p0 [sflag:s0], s1  }
0x122: {  	s1 =	ssub.s32 @!p0 $0x0, s1;
	[sflag:s0] =	ssyncset.done @!p0 $0x0  }
0x123: {  	[sflag:s0] =	ssyncadd.s32 @!p0 s1  }
0x124: {  	[bflag:$0x3] =	sbarrier.arrive $0xFFFF  }
0x125: {  	_ =	shalt  }

</sc_bundles>
